<compile_context>
chip_gen: v7x
topology: tpu7x:2x2x1
jax: 0.10.2.dev20260603
libtpu: 0.0.44.dev20260713+nightly
codegen_flags: <defaults>
</compile_context>

<pallas_src>
import functools

import jax
import jax.numpy as jnp
from jax import lax
from jax.experimental import pallas as pl
from jax.experimental.pallas import tpu as pltpu
from jax.experimental.pallas import tpu_sc as plsc

NUM_EMB = 1000000
DIM = 64
BATCH = 16384
LANES = 16


def kernel(inputs, table):
    info = plsc.get_sparse_core_info()
    nc, ns = info.num_cores, info.num_subcores
    nw = nc * ns
    b_per_w = BATCH // nw

    mesh = plsc.VectorSubcoreMesh(core_axis_name="c", subcore_axis_name="s")

    @functools.partial(
        pl.kernel,
        out_type=jax.ShapeDtypeStruct((BATCH, DIM), jnp.bfloat16),
        mesh=mesh,
        compiler_params=pltpu.CompilerParams(needs_layout_passes=False),
        scratch_types=[
            pltpu.VMEM((b_per_w,), jnp.int32),
            pltpu.VMEM((b_per_w, DIM), jnp.float32),
            pltpu.VMEM((b_per_w, DIM), jnp.bfloat16),
            pltpu.SemaphoreType.DMA,
        ],
    )
    def emb_kernel(idx_hbm, table_hbm, out_hbm, idx_s, rows_v, out_v, sem):
        wid = lax.axis_index("s") * nc + lax.axis_index("c")
        base = pl.multiple_of(wid * b_per_w, b_per_w)

        pltpu.sync_copy(idx_hbm.at[pl.ds(base, b_per_w)], idx_s)

        def fire(j, _):
            vec = idx_s[pl.ds(j * LANES, LANES)]
            for k in range(LANES):
                pltpu.async_copy(
                    table_hbm.at[vec[k]], rows_v.at[j * LANES + k], sem
                )
            return ()

        lax.fori_loop(0, b_per_w // LANES, fire, ())

        evens = jnp.arange(0, 2 * LANES, 2, dtype=jnp.int32)
        odds = evens + 1

        def body(r, _):
            pltpu.make_async_copy(table_hbm.at[0], rows_v.at[0], sem).wait()
            row = jnp.full((LANES,), r, dtype=jnp.int32)
            for half in range(DIM // (2 * LANES)):
                off = half * 2 * LANES
                a = plsc.load_gather(rows_v, [row, off + evens])
                b = plsc.load_gather(rows_v, [row, off + odds])
                packed = plsc.pack(a, b, format=plsc.PackFormat.INTERLEAVED)
                out_v[r, pl.ds(off, 2 * LANES)] = packed
            return ()

        lax.fori_loop(0, b_per_w, body, ())

        pltpu.sync_copy(out_v, out_hbm.at[pl.ds(base, b_per_w)])

    return emb_kernel(inputs, table)

# --- scband reference (transcript-rebuilt; emitter-appended) ---
"""Pipeline reference for scband-casted-sparse-embedding-82300163326547 (READ-ONLY COPY).

The authoritative reference and input builder live on the scoring server;
editing this copy changes nothing except your own understanding.
"""

import jax, jax.numpy as jnp
import numpy as np

NUM_EMBEDDINGS = 1000000
EMBEDDING_DIM = 64
BATCH = 16384
INIT_STD = 0.02


def setup_inputs(seed: int = 0) -> dict:
    key = jax.random.key(seed)
    k1, k2 = jax.random.split(key)
    inputs = jax.random.randint(k1, (BATCH,), 0, NUM_EMBEDDINGS, dtype=jnp.int32)
    # trunc_normal_ init with std=INIT_STD (truncated at +/- 2 std)
    table = jax.random.truncated_normal(k2, -2.0, 2.0, (NUM_EMBEDDINGS, EMBEDDING_DIM), dtype=jnp.float32) * INIT_STD
    return {"inputs": inputs, "table": table}


def reference(inputs, table):
    # nn.Embedding lookup -> gather rows, then cast to bfloat16
    out = jnp.take(table, inputs, axis=0)
    return out.astype(jnp.bfloat16)

if __name__ == "__main__":
    import jax
    _d = setup_inputs()
    print(jax.jit(kernel)(*tuple(_d.values())))

</pallas_src>

<mosaic_0001>
#map = affine_map<(d0, d1) -> (0)>
#map1 = affine_map<(d0, d1) -> (0, 0)>
module attributes {stable_mosaic.version = 14 : i64} {
  func.func @emb_kernel(%arg0: i32, %arg1: i32, %arg2: memref<16384xi32, #tpu.memory_space<hbm>>, %arg3: memref<1000000x64xf32, #tpu.memory_space<hbm>>, %arg4: memref<16384x64xbf16, #tpu.memory_space<hbm>>, %arg5: memref<512xi32, #tpu.memory_space<vmem>>, %arg6: memref<512x64xf32, #tpu.memory_space<vmem>>, %arg7: memref<512x64xbf16, #tpu.memory_space<vmem>>, %arg8: memref<!tpu.dma_semaphore, #tpu.memory_space<semaphore_mem>>) attributes {dimension_semantics = [#tpu.dimension_semantics<core_parallel>, #tpu.dimension_semantics<subcore_parallel>], iteration_bounds = array<i64: 2, 16>, scalar_prefetch = 0 : i64, scratch_operands = 4 : i64, tpu.core_type = #tpu.core_type<sc_vector_subcore>, window_params = [{transform_indices = #map}, {transform_indices = #map1}, {transform_indices = #map1}]} {
    %mul3A = arith.constant 2 : i32
    %mul3A_0 = arith.muli %arg1, %mul3A : i32
    %add3A = arith.addi %mul3A_0, %arg0 : i32
    %mul3A_1 = arith.constant 512 : i32
    %mul3A_2 = arith.muli %add3A, %mul3A_1 : i32
    %multiple_of3A = tpu.assume_multiple %mul3A_2, 512 : i32
    "tpu.region"() ({
      %run_scoped3A = tpu.sem_alloc : memref<!tpu.dma_semaphore, #tpu.memory_space<semaphore_mem>>
      %dma_start3A = tpu.memref_slice %arg2[%multiple_of3A] : memref<16384xi32, #tpu.memory_space<hbm>> -> memref<512xi32, #tpu.memory_space<hbm>>
      %dma_start3A_21 = tpu.memref_slice %arg2[%multiple_of3A] : memref<16384xi32, #tpu.memory_space<hbm>> -> memref<512xi32, #tpu.memory_space<hbm>>
      tpu.enqueue_dma source(%dma_start3A_21 : memref<512xi32, #tpu.memory_space<hbm>>) target(%arg5 : memref<512xi32, #tpu.memory_space<vmem>>) target_semaphore(%run_scoped3A : memref<!tpu.dma_semaphore, #tpu.memory_space<semaphore_mem>>)
      %dma_wait3A = tpu.memref_slice %arg2[%multiple_of3A] : memref<16384xi32, #tpu.memory_space<hbm>> -> memref<512xi32, #tpu.memory_space<hbm>>
      %dma_wait3A_22 = tpu.memref_slice %arg2[%multiple_of3A] : memref<16384xi32, #tpu.memory_space<hbm>> -> memref<512xi32, #tpu.memory_space<hbm>>
      tpu.wait_dma2 semaphore(%run_scoped3A : memref<!tpu.dma_semaphore, #tpu.memory_space<semaphore_mem>>) src(%dma_wait3A_22 : memref<512xi32, #tpu.memory_space<hbm>>) dst(%arg5 : memref<512xi32, #tpu.memory_space<vmem>>)
      tpu.yield
    }) : () -> ()
    %scan3A = arith.constant 0 : i32
    %scan3A_3 = arith.constant 32 : i32
    %scan3A_4 = arith.addi %scan3A, %scan3A_3 : i32
    %scan3A_5 = arith.constant 1 : i32
    scf.for %scan3A_21 = %scan3A to %scan3A_4 step %scan3A_5  : i32 {
      %mul3A_22 = arith.constant 16 : i32
      %mul3A_23 = arith.muli %scan3A_21, %mul3A_22 : i32
      %get3A = arith.index_cast %mul3A_23 : i32 to index
      %get3A_24 = tpu.vector_load %arg5[%get3A] {strides = array<i32>} : memref<512xi32, #tpu.memory_space<vmem>>, vector<16xi32>,
      %slice3A = vector.extract_strided_slice %get3A_24 {offsets = [0], sizes = [1], strides = [1]} : vector<16xi32> to vector<1xi32>
      %squeeze3A = vector.extract %slice3A[0] : i32 from vector<1xi32>
      %mul3A_25 = arith.constant 16 : i32
      %mul3A_26 = arith.muli %scan3A_21, %mul3A_25 : i32
      %add3A_27 = arith.constant 0 : i32
      %add3A_28 = arith.addi %mul3A_26, %add3A_27 : i32
      %dma_start3A = arith.constant 0 : i32
      %dma_start3A_29 = tpu.memref_slice %arg6[%add3A_28, %dma_start3A] : memref<512x64xf32, #tpu.memory_space<vmem>> -> memref<1x64xf32, #tpu.memory_space<vmem>>
      %dma_start3A_30 = tpu.memref_squeeze %dma_start3A_29 : memref<1x64xf32, #tpu.memory_space<vmem>> -> memref<64xf32, #tpu.memory_space<vmem>>
      %dma_start3A_31 = arith.constant 0 : i32
      %dma_start3A_32 = tpu.memref_slice %arg3[%squeeze3A, %dma_start3A_31] : memref<1000000x64xf32, #tpu.memory_space<hbm>> -> memref<1x64xf32, #tpu.memory_space<hbm>>
      %dma_start3A_33 = tpu.memref_squeeze %dma_start3A_32 : memref<1x64xf32, #tpu.memory_space<hbm>> -> memref<64xf32, #tpu.memory_space<hbm>>
      %dma_start3A_34 = arith.constant 0 : i32
      %dma_start3A_35 = tpu.memref_slice %arg6[%add3A_28, %dma_start3A_34] : memref<512x64xf32, #tpu.memory_space<vmem>> -> memref<1x64xf32, #tpu.memory_space<vmem>>
      %dma_start3A_36 = tpu.memref_squeeze %dma_start3A_35 : memref<1x64xf32, #tpu.memory_space<vmem>> -> memref<64xf32, #tpu.memory_space<vmem>>
      %dma_start3A_37 = arith.constant 0 : i32
      %dma_start3A_38 = tpu.memref_slice %arg3[%squeeze3A, %dma_start3A_37] : memref<1000000x64xf32, #tpu.memory_space<hbm>> -> memref<1x64xf32, #tpu.memory_space<hbm>>
      %dma_start3A_39 = tpu.memref_squeeze %dma_start3A_38 : memref<1x64xf32, #tpu.memory_space<hbm>> -> memref<64xf32, #tpu.memory_space<hbm>>
      tpu.enqueue_dma source(%dma_start3A_39 : memref<64xf32, #tpu.memory_space<hbm>>) target(%dma_start3A_36 : memref<64xf32, #tpu.memory_space<vmem>>) target_semaphore(%arg8 : memref<!tpu.dma_semaphore, #tpu.memory_space<semaphore_mem>>)
      %slice3A_40 = vector.extract_strided_slice %get3A_24 {offsets = [1], sizes = [1], strides = [1]} : vector<16xi32> to vector<1xi32>
      %squeeze3A_41 = vector.extract %slice3A_40[0] : i32 from vector<1xi32>
      %mul3A_42 = arith.constant 16 : i32
      %mul3A_43 = arith.muli %scan3A_21, %mul3A_42 : i32
      %add3A_44 = arith.constant 1 : i32
      %add3A_45 = arith.addi %mul3A_43, %add3A_44 : i32
      %dma_start3A_46 = arith.constant 0 : i32
      %dma_start3A_47 = tpu.memref_slice %arg6[%add3A_45, %dma_start3A_46] : memref<512x64xf32, #tpu.memory_space<vmem>> -> memref<1x64xf32, #tpu.memory_space<vmem>>
      %dma_start3A_48 = tpu.memref_squeeze %dma_start3A_47 : memref<1x64xf32, #tpu.memory_space<vmem>> -> memref<64xf32, #tpu.memory_space<vmem>>
      %dma_start3A_49 = arith.constant 0 : i32
      %dma_start3A_50 = tpu.memref_slice %arg3[%squeeze3A_41, %dma_start3A_49] : memref<1000000x64xf32, #tpu.memory_space<hbm>> -> memref<1x64xf32, #tpu.memory_space<hbm>>
      %dma_start3A_51 = tpu.memref_squeeze %dma_start3A_50 : memref<1x64xf32, #tpu.memory_space<hbm>> -> memref<64xf32, #tpu.memory_space<hbm>>
      %dma_start3A_52 = arith.constant 0 : i32
      %dma_start3A_53 = tpu.memref_slice %arg6[%add3A_45, %dma_start3A_52] : memref<512x64xf32, #tpu.memory_space<vmem>> -> memref<1x64xf32, #tpu.memory_space<vmem>>
      %dma_start3A_54 = tpu.memref_squeeze %dma_start3A_53 : memref<1x64xf32, #tpu.memory_space<vmem>> -> memref<64xf32, #tpu.memory_space<vmem>>
      %dma_start3A_55 = arith.constant 0 : i32
      %dma_start3A_56 = tpu.memref_slice %arg3[%squeeze3A_41, %dma_start3A_55] : memref<1000000x64xf32, #tpu.memory_space<hbm>> -> memref<1x64xf32, #tpu.memory_space<hbm>>
      %dma_start3A_57 = tpu.memref_squeeze %dma_start3A_56 : memref<1x64xf32, #tpu.memory_space<hbm>> -> memref<64xf32, #tpu.memory_space<hbm>>
      tpu.enqueue_dma source(%dma_start3A_57 : memref<64xf32, #tpu.memory_space<hbm>>) target(%dma_start3A_54 : memref<64xf32, #tpu.memory_space<vmem>>) target_semaphore(%arg8 : memref<!tpu.dma_semaphore, #tpu.memory_space<semaphore_mem>>)
      %slice3A_58 = vector.extract_strided_slice %get3A_24 {offsets = [2], sizes = [1], strides = [1]} : vector<16xi32> to vector<1xi32>
      %squeeze3A_59 = vector.extract %slice3A_58[0] : i32 from vector<1xi32>
      %mul3A_60 = arith.constant 16 : i32
      %mul3A_61 = arith.muli %scan3A_21, %mul3A_60 : i32
      %add3A_62 = arith.constant 2 : i32
      %add3A_63 = arith.addi %mul3A_61, %add3A_62 : i32
      %dma_start3A_64 = arith.constant 0 : i32
      %dma_start3A_65 = tpu.memref_slice %arg6[%add3A_63, %dma_start3A_64] : memref<512x64xf32, #tpu.memory_space<vmem>> -> memref<1x64xf32, #tpu.memory_space<vmem>>
      %dma_start3A_66 = tpu.memref_squeeze %dma_start3A_65 : memref<1x64xf32, #tpu.memory_space<vmem>> -> memref<64xf32, #tpu.memory_space<vmem>>
      %dma_start3A_67 = arith.constant 0 : i32
      %dma_start3A_68 = tpu.memref_slice %arg3[%squeeze3A_59, %dma_start3A_67] : memref<1000000x64xf32, #tpu.memory_space<hbm>> -> memref<1x64xf32, #tpu.memory_space<hbm>>
      %dma_start3A_69 = tpu.memref_squeeze %dma_start3A_68 : memref<1x64xf32, #tpu.memory_space<hbm>> -> memref<64xf32, #tpu.memory_space<hbm>>
      %dma_start3A_70 = arith.constant 0 : i32
      %dma_start3A_71 = tpu.memref_slice %arg6[%add3A_63, %dma_start3A_70] : memref<512x64xf32, #tpu.memory_space<vmem>> -> memref<1x64xf32, #tpu.memory_space<vmem>>
      %dma_start3A_72 = tpu.memref_squeeze %dma_start3A_71 : memref<1x64xf32, #tpu.memory_space<vmem>> -> memref<64xf32, #tpu.memory_space<vmem>>
      %dma_start3A_73 = arith.constant 0 : i32
      %dma_start3A_74 = tpu.memref_slice %arg3[%squeeze3A_59, %dma_start3A_73] : memref<1000000x64xf32, #tpu.memory_space<hbm>> -> memref<1x64xf32, #tpu.memory_space<hbm>>
      %dma_start3A_75 = tpu.memref_squeeze %dma_start3A_74 : memref<1x64xf32, #tpu.memory_space<hbm>> -> memref<64xf32, #tpu.memory_space<hbm>>
      tpu.enqueue_dma source(%dma_start3A_75 : memref<64xf32, #tpu.memory_space<hbm>>) target(%dma_start3A_72 : memref<64xf32, #tpu.memory_space<vmem>>) target_semaphore(%arg8 : memref<!tpu.dma_semaphore, #tpu.memory_space<semaphore_mem>>)
      %slice3A_76 = vector.extract_strided_slice %get3A_24 {offsets = [3], sizes = [1], strides = [1]} : vector<16xi32> to vector<1xi32>
      %squeeze3A_77 = vector.extract %slice3A_76[0] : i32 from vector<1xi32>
      %mul3A_78 = arith.constant 16 : i32
      %mul3A_79 = arith.muli %scan3A_21, %mul3A_78 : i32
      %add3A_80 = arith.constant 3 : i32
      %add3A_81 = arith.addi %mul3A_79, %add3A_80 : i32
      %dma_start3A_82 = arith.constant 0 : i32
      %dma_start3A_83 = tpu.memref_slice %arg6[%add3A_81, %dma_start3A_82] : memref<512x64xf32, #tpu.memory_space<vmem>> -> memref<1x64xf32, #tpu.memory_space<vmem>>
      %dma_start3A_84 = tpu.memref_squeeze %dma_start3A_83 : memref<1x64xf32, #tpu.memory_space<vmem>> -> memref<64xf32, #tpu.memory_space<vmem>>
      %dma_start3A_85 = arith.constant 0 : i32
      %dma_start3A_86 = tpu.memref_slice %arg3[%squeeze3A_77, %dma_start3A_85] : memref<1000000x64xf32, #tpu.memory_space<hbm>> -> memref<1x64xf32, #tpu.memory_space<hbm>>
      %dma_start3A_87 = tpu.memref_squeeze %dma_start3A_86 : memref<1x64xf32, #tpu.memory_space<hbm>> -> memref<64xf32, #tpu.memory_space<hbm>>
      %dma_start3A_88 = arith.constant 0 : i32
      %dma_start3A_89 = tpu.memref_slice %arg6[%add3A_81, %dma_start3A_88] : memref<512x64xf32, #tpu.memory_space<vmem>> -> memref<1x64xf32, #tpu.memory_space<vmem>>
      %dma_start3A_90 = tpu.memref_squeeze %dma_start3A_89 : memref<1x64xf32, #tpu.memory_space<vmem>> -> memref<64xf32, #tpu.memory_space<vmem>>
      %dma_start3A_91 = arith.constant 0 : i32
      %dma_start3A_92 = tpu.memref_slice %arg3[%squeeze3A_77, %dma_start3A_91] : memref<1000000x64xf32, #tpu.memory_space<hbm>> -> memref<1x64xf32, #tpu.memory_space<hbm>>
      %dma_start3A_93 = tpu.memref_squeeze %dma_start3A_92 : memref<1x64xf32, #tpu.memory_space<hbm>> -> memref<64xf32, #tpu.memory_space<hbm>>
      tpu.enqueue_dma source(%dma_start3A_93 : memref<64xf32, #tpu.memory_space<hbm>>) target(%dma_start3A_90 : memref<64xf32, #tpu.memory_space<vmem>>) target_semaphore(%arg8 : memref<!tpu.dma_semaphore, #tpu.memory_space<semaphore_mem>>)
      %slice3A_94 = vector.extract_strided_slice %get3A_24 {offsets = [4], sizes = [1], strides = [1]} : vector<16xi32> to vector<1xi32>
      %squeeze3A_95 = vector.extract %slice3A_94[0] : i32 from vector<1xi32>
      %mul3A_96 = arith.constant 16 : i32
      %mul3A_97 = arith.muli %scan3A_21, %mul3A_96 : i32
      %add3A_98 = arith.constant 4 : i32
      %add3A_99 = arith.addi %mul3A_97, %add3A_98 : i32
      %dma_start3A_100 = arith.constant 0 : i32
      %dma_start3A_101 = tpu.memref_slice %arg6[%add3A_99, %dma_start3A_100] : memref<512x64xf32, #tpu.memory_space<vmem>> -> memref<1x64xf32, #tpu.memory_space<vmem>>
      %dma_start3A_102 = tpu.memref_squeeze %dma_start3A_101 : memref<1x64xf32, #tpu.memory_space<vmem>> -> memref<64xf32, #tpu.memory_space<vmem>>
      %dma_start3A_103 = arith.constant 0 : i32
      %dma_start3A_104 = tpu.memref_slice %arg3[%squeeze3A_95, %dma_start3A_103] : memref<1000000x64xf32, #tpu.memory_space<hbm>> -> memref<1x64xf32, #tpu.memory_space<hbm>>
      %dma_start3A_105 = tpu.memref_squeeze %dma_start3A_104 : memref<1x64xf32, #tpu.memory_space<hbm>> -> memref<64xf32, #tpu.memory_space<hbm>>
      %dma_start3A_106 = arith.constant 0 : i32
      %dma_start3A_107 = tpu.memref_slice %arg6[%add3A_99, %dma_start3A_106] : memref<512x64xf32, #tpu.memory_space<vmem>> -> memref<1x64xf32, #tpu.memory_space<vmem>>
      %dma_start3A_108 = tpu.memref_squeeze %dma_start3A_107 : memref<1x64xf32, #tpu.memory_space<vmem>> -> memref<64xf32, #tpu.memory_space<vmem>>
      %dma_start3A_109 = arith.constant 0 : i32
      %dma_start3A_110 = tpu.memref_slice %arg3[%squeeze3A_95, %dma_start3A_109] : memref<1000000x64xf32, #tpu.memory_space<hbm>> -> memref<1x64xf32, #tpu.memory_space<hbm>>
      %dma_start3A_111 = tpu.memref_squeeze %dma_start3A_110 : memref<1x64xf32, #tpu.memory_space<hbm>> -> memref<64xf32, #tpu.memory_space<hbm>>
      tpu.enqueue_dma source(%dma_start3A_111 : memref<64xf32, #tpu.memory_space<hbm>>) target(%dma_start3A_108 : memref<64xf32, #tpu.memory_space<vmem>>) target_semaphore(%arg8 : memref<!tpu.dma_semaphore, #tpu.memory_space<semaphore_mem>>)
      %slice3A_112 = vector.extract_strided_slice %get3A_24 {offsets = [5], sizes = [1], strides = [1]} : vector<16xi32> to vector<1xi32>
      %squeeze3A_113 = vector.extract %slice3A_112[0] : i32 from vector<1xi32>
      %mul3A_114 = arith.constant 16 : i32
      %mul3A_115 = arith.muli %scan3A_21, %mul3A_114 : i32
      %add3A_116 = arith.constant 5 : i32
      %add3A_117 = arith.addi %mul3A_115, %add3A_116 : i32
      %dma_start3A_118 = arith.constant 0 : i32
      %dma_start3A_119 = tpu.memref_slice %arg6[%add3A_117, %dma_start3A_118] : memref<512x64xf32, #tpu.memory_space<vmem>> -> memref<1x64xf32, #tpu.memory_space<vmem>>
      %dma_start3A_120 = tpu.memref_squeeze %dma_start3A_119 : memref<1x64xf32, #tpu.memory_space<vmem>> -> memref<64xf32, #tpu.memory_space<vmem>>
      %dma_start3A_121 = arith.constant 0 : i32
      %dma_start3A_122 = tpu.memref_slice %arg3[%squeeze3A_113, %dma_start3A_121] : memref<1000000x64xf32, #tpu.memory_space<hbm>> -> memref<1x64xf32, #tpu.memory_space<hbm>>
      %dma_start3A_123 = tpu.memref_squeeze %dma_start3A_122 : memref<1x64xf32, #tpu.memory_space<hbm>> -> memref<64xf32, #tpu.memory_space<hbm>>
      %dma_start3A_124 = arith.constant 0 : i32
      %dma_start3A_125 = tpu.memref_slice %arg6[%add3A_117, %dma_start3A_124] : memref<512x64xf32, #tpu.memory_space<vmem>> -> memref<1x64xf32, #tpu.memory_space<vmem>>
      %dma_start3A_126 = tpu.memref_squeeze %dma_start3A_125 : memref<1x64xf32, #tpu.memory_space<vmem>> -> memref<64xf32, #tpu.memory_space<vmem>>
      %dma_start3A_127 = arith.constant 0 : i32
      %dma_start3A_128 = tpu.memref_slice %arg3[%squeeze3A_113, %dma_start3A_127] : memref<1000000x64xf32, #tpu.memory_space<hbm>> -> memref<1x64xf32, #tpu.memory_space<hbm>>
      %dma_start3A_129 = tpu.memref_squeeze %dma_start3A_128 : memref<1x64xf32, #tpu.memory_space<hbm>> -> memref<64xf32, #tpu.memory_space<hbm>>
      tpu.enqueue_dma source(%dma_start3A_129 : memref<64xf32, #tpu.memory_space<hbm>>) target(%dma_start3A_126 : memref<64xf32, #tpu.memory_space<vmem>>) target_semaphore(%arg8 : memref<!tpu.dma_semaphore, #tpu.memory_space<semaphore_mem>>)
      %slice3A_130 = vector.extract_strided_slice %get3A_24 {offsets = [6], sizes = [1], strides = [1]} : vector<16xi32> to vector<1xi32>
      %squeeze3A_131 = vector.extract %slice3A_130[0] : i32 from vector<1xi32>
      %mul3A_132 = arith.constant 16 : i32
      %mul3A_133 = arith.muli %scan3A_21, %mul3A_132 : i32
      %add3A_134 = arith.constant 6 : i32
      %add3A_135 = arith.addi %mul3A_133, %add3A_134 : i32
      %dma_start3A_136 = arith.constant 0 : i32
      %dma_start3A_137 = tpu.memref_slice %arg6[%add3A_135, %dma_start3A_136] : memref<512x64xf32, #tpu.memory_space<vmem>> -> memref<1x64xf32, #tpu.memory_space<vmem>>
      %dma_start3A_138 = tpu.memref_squeeze %dma_start3A_137 : memref<1x64xf32, #tpu.memory_space<vmem>> -> memref<64xf32, #tpu.memory_space<vmem>>
      %dma_start3A_139 = arith.constant 0 : i32
      %dma_start3A_140 = tpu.memref_slice %arg3[%squeeze3A_131, %dma_start3A_139] : memref<1000000x64xf32, #tpu.memory_space<hbm>> -> memref<1x64xf32, #tpu.memory_space<hbm>>
      %dma_start3A_141 = tpu.memref_squeeze %dma_start3A_140 : memref<1x64xf32, #tpu.memory_space<hbm>> -> memref<64xf32, #tpu.memory_space<hbm>>
      %dma_start3A_142 = arith.constant 0 : i32
      %dma_start3A_143 = tpu.memref_slice %arg6[%add3A_135, %dma_start3A_142] : memref<512x64xf32, #tpu.memory_space<vmem>> -> memref<1x64xf32, #tpu.memory_space<vmem>>
      %dma_start3A_144 = tpu.memref_squeeze %dma_start3A_143 : memref<1x64xf32, #tpu.memory_space<vmem>> -> memref<64xf32, #tpu.memory_space<vmem>>
      %dma_start3A_145 = arith.constant 0 : i32
      %dma_start3A_146 = tpu.memref_slice %arg3[%squeeze3A_131, %dma_start3A_145] : memref<1000000x64xf32, #tpu.memory_space<hbm>> -> memref<1x64xf32, #tpu.memory_space<hbm>>
      %dma_start3A_147 = tpu.memref_squeeze %dma_start3A_146 : memref<1x64xf32, #tpu.memory_space<hbm>> -> memref<64xf32, #tpu.memory_space<hbm>>
      tpu.enqueue_dma source(%dma_start3A_147 : memref<64xf32, #tpu.memory_space<hbm>>) target(%dma_start3A_144 : memref<64xf32, #tpu.memory_space<vmem>>) target_semaphore(%arg8 : memref<!tpu.dma_semaphore, #tpu.memory_space<semaphore_mem>>)
      %slice3A_148 = vector.extract_strided_slice %get3A_24 {offsets = [7], sizes = [1], strides = [1]} : vector<16xi32> to vector<1xi32>
      %squeeze3A_149 = vector.extract %slice3A_148[0] : i32 from vector<1xi32>
      %mul3A_150 = arith.constant 16 : i32
      %mul3A_151 = arith.muli %scan3A_21, %mul3A_150 : i32
      %add3A_152 = arith.constant 7 : i32
      %add3A_153 = arith.addi %mul3A_151, %add3A_152 : i32
      %dma_start3A_154 = arith.constant 0 : i32
      %dma_start3A_155 = tpu.memref_slice %arg6[%add3A_153, %dma_start3A_154] : memref<512x64xf32, #tpu.memory_space<vmem>> -> memref<1x64xf32, #tpu.memory_space<vmem>>
      %dma_start3A_156 = tpu.memref_squeeze %dma_start3A_155 : memref<1x64xf32, #tpu.memory_space<vmem>> -> memref<64xf32, #tpu.memory_space<vmem>>
      %dma_start3A_157 = arith.constant 0 : i32
      %dma_start3A_158 = tpu.memref_slice %arg3[%squeeze3A_149, %dma_start3A_157] : memref<1000000x64xf32, #tpu.memory_space<hbm>> -> memref<1x64xf32, #tpu.memory_space<hbm>>
      %dma_start3A_159 = tpu.memref_squeeze %dma_start3A_158 : memref<1x64xf32, #tpu.memory_space<hbm>> -> memref<64xf32, #tpu.memory_space<hbm>>
      %dma_start3A_160 = arith.constant 0 : i32
      %dma_start3A_161 = tpu.memref_slice %arg6[%add3A_153, %dma_start3A_160] : memref<512x64xf32, #tpu.memory_space<vmem>> -> memref<1x64xf32, #tpu.memory_space<vmem>>
      %dma_start3A_162 = tpu.memref_squeeze %dma_start3A_161 : memref<1x64xf32, #tpu.memory_space<vmem>> -> memref<64xf32, #tpu.memory_space<vmem>>
      %dma_start3A_163 = arith.constant 0 : i32
      %dma_start3A_164 = tpu.memref_slice %arg3[%squeeze3A_149, %dma_start3A_163] : memref<1000000x64xf32, #tpu.memory_space<hbm>> -> memref<1x64xf32, #tpu.memory_space<hbm>>
      %dma_start3A_165 = tpu.memref_squeeze %dma_start3A_164 : memref<1x64xf32, #tpu.memory_space<hbm>> -> memref<64xf32, #tpu.memory_space<hbm>>
      tpu.enqueue_dma source(%dma_start3A_165 : memref<64xf32, #tpu.memory_space<hbm>>) target(%dma_start3A_162 : memref<64xf32, #tpu.memory_space<vmem>>) target_semaphore(%arg8 : memref<!tpu.dma_semaphore, #tpu.memory_space<semaphore_mem>>)
      %slice3A_166 = vector.extract_strided_slice %get3A_24 {offsets = [8], sizes = [1], strides = [1]} : vector<16xi32> to vector<1xi32>
      %squeeze3A_167 = vector.extract %slice3A_166[0] : i32 from vector<1xi32>
      %mul3A_168 = arith.constant 16 : i32
      %mul3A_169 = arith.muli %scan3A_21, %mul3A_168 : i32
      %add3A_170 = arith.constant 8 : i32
      %add3A_171 = arith.addi %mul3A_169, %add3A_170 : i32
      %dma_start3A_172 = arith.constant 0 : i32
      %dma_start3A_173 = tpu.memref_slice %arg6[%add3A_171, %dma_start3A_172] : memref<512x64xf32, #tpu.memory_space<vmem>> -> memref<1x64xf32, #tpu.memory_space<vmem>>
      %dma_start3A_174 = tpu.memref_squeeze %dma_start3A_173 : memref<1x64xf32, #tpu.memory_space<vmem>> -> memref<64xf32, #tpu.memory_space<vmem>>
      %dma_start3A_175 = arith.constant 0 : i32
      %dma_start3A_176 = tpu.memref_slice %arg3[%squeeze3A_167, %dma_start3A_175] : memref<1000000x64xf32, #tpu.memory_space<hbm>> -> memref<1x64xf32, #tpu.memory_space<hbm>>
      %dma_start3A_177 = tpu.memref_squeeze %dma_start3A_176 : memref<1x64xf32, #tpu.memory_space<hbm>> -> memref<64xf32, #tpu.memory_space<hbm>>
      %dma_start3A_178 = arith.constant 0 : i32
      %dma_start3A_179 = tpu.memref_slice %arg6[%add3A_171, %dma_start3A_178] : memref<512x64xf32, #tpu.memory_space<vmem>> -> memref<1x64xf32, #tpu.memory_space<vmem>>
      %dma_start3A_180 = tpu.memref_squeeze %dma_start3A_179 : memref<1x64xf32, #tpu.memory_space<vmem>> -> memref<64xf32, #tpu.memory_space<vmem>>
      %dma_start3A_181 = arith.constant 0 : i32
      %dma_start3A_182 = tpu.memref_slice %arg3[%squeeze3A_167, %dma_start3A_181] : memref<1000000x64xf32, #tpu.memory_space<hbm>> -> memref<1x64xf32, #tpu.memory_space<hbm>>
      %dma_start3A_183 = tpu.memref_squeeze %dma_start3A_182 : memref<1x64xf32, #tpu.memory_space<hbm>> -> memref<64xf32, #tpu.memory_space<hbm>>
      tpu.enqueue_dma source(%dma_start3A_183 : memref<64xf32, #tpu.memory_space<hbm>>) target(%dma_start3A_180 : memref<64xf32, #tpu.memory_space<vmem>>) target_semaphore(%arg8 : memref<!tpu.dma_semaphore, #tpu.memory_space<semaphore_mem>>)
      %slice3A_184 = vector.extract_strided_slice %get3A_24 {offsets = [9], sizes = [1], strides = [1]} : vector<16xi32> to vector<1xi32>
      %squeeze3A_185 = vector.extract %slice3A_184[0] : i32 from vector<1xi32>
      %mul3A_186 = arith.constant 16 : i32
      %mul3A_187 = arith.muli %scan3A_21, %mul3A_186 : i32
      %add3A_188 = arith.constant 9 : i32
      %add3A_189 = arith.addi %mul3A_187, %add3A_188 : i32
      %dma_start3A_190 = arith.constant 0 : i32
      %dma_start3A_191 = tpu.memref_slice %arg6[%add3A_189, %dma_start3A_190] : memref<512x64xf32, #tpu.memory_space<vmem>> -> memref<1x64xf32, #tpu.memory_space<vmem>>
      %dma_start3A_192 = tpu.memref_squeeze %dma_start3A_191 : memref<1x64xf32, #tpu.memory_space<vmem>> -> memref<64xf32, #tpu.memory_space<vmem>>
      %dma_start3A_193 = arith.constant 0 : i32
      %dma_start3A_194 = tpu.memref_slice %arg3[%squeeze3A_185, %dma_start3A_193] : memref<1000000x64xf32, #tpu.memory_space<hbm>> -> memref<1x64xf32, #tpu.memory_space<hbm>>
      %dma_start3A_195 = tpu.memref_squeeze %dma_start3A_194 : memref<1x64xf32, #tpu.memory_space<hbm>> -> memref<64xf32, #tpu.memory_space<hbm>>
      %dma_start3A_196 = arith.constant 0 : i32
      %dma_start3A_197 = tpu.memref_slice %arg6[%add3A_189, %dma_start3A_196] : memref<512x64xf32, #tpu.memory_space<vmem>> -> memref<1x64xf32, #tpu.memory_space<vmem>>
      %dma_start3A_198 = tpu.memref_squeeze %dma_start3A_197 : memref<1x64xf32, #tpu.memory_space<vmem>> -> memref<64xf32, #tpu.memory_space<vmem>>
      %dma_start3A_199 = arith.constant 0 : i32
      %dma_start3A_200 = tpu.memref_slice %arg3[%squeeze3A_185, %dma_start3A_199] : memref<1000000x64xf32, #tpu.memory_space<hbm>> -> memref<1x64xf32, #tpu.memory_space<hbm>>
      %dma_start3A_201 = tpu.memref_squeeze %dma_start3A_200 : memref<1x64xf32, #tpu.memory_space<hbm>> -> memref<64xf32, #tpu.memory_space<hbm>>
      tpu.enqueue_dma source(%dma_start3A_201 : memref<64xf32, #tpu.memory_space<hbm>>) target(%dma_start3A_198 : memref<64xf32, #tpu.memory_space<vmem>>) target_semaphore(%arg8 : memref<!tpu.dma_semaphore, #tpu.memory_space<semaphore_mem>>)
      %slice3A_202 = vector.extract_strided_slice %get3A_24 {offsets = [10], sizes = [1], strides = [1]} : vector<16xi32> to vector<1xi32>
      %squeeze3A_203 = vector.extract %slice3A_202[0] : i32 from vector<1xi32>
      %mul3A_204 = arith.constant 16 : i32
      %mul3A_205 = arith.muli %scan3A_21, %mul3A_204 : i32
      %add3A_206 = arith.constant 10 : i32
      %add3A_207 = arith.addi %mul3A_205, %add3A_206 : i32
      %dma_start3A_208 = arith.constant 0 : i32
      %dma_start3A_209 = tpu.memref_slice %arg6[%add3A_207, %dma_start3A_208] : memref<512x64xf32, #tpu.memory_space<vmem>> -> memref<1x64xf32, #tpu.memory_space<vmem>>
      %dma_start3A_210 = tpu.memref_squeeze %dma_start3A_209 : memref<1x64xf32, #tpu.memory_space<vmem>> -> memref<64xf32, #tpu.memory_space<vmem>>
      %dma_start3A_211 = arith.constant 0 : i32
      %dma_start3A_212 = tpu.memref_slice %arg3[%squeeze3A_203, %dma_start3A_211] : memref<1000000x64xf32, #tpu.memory_space<hbm>> -> memref<1x64xf32, #tpu.memory_space<hbm>>
      %dma_start3A_213 = tpu.memref_squeeze %dma_start3A_212 : memref<1x64xf32, #tpu.memory_space<hbm>> -> memref<64xf32, #tpu.memory_space<hbm>>
      %dma_start3A_214 = arith.constant 0 : i32
      %dma_start3A_215 = tpu.memref_slice %arg6[%add3A_207, %dma_start3A_214] : memref<512x64xf32, #tpu.memory_space<vmem>> -> memref<1x64xf32, #tpu.memory_space<vmem>>
      %dma_start3A_216 = tpu.memref_squeeze %dma_start3A_215 : memref<1x64xf32, #tpu.memory_space<vmem>> -> memref<64xf32, #tpu.memory_space<vmem>>
      %dma_start3A_217 = arith.constant 0 : i32
      %dma_start3A_218 = tpu.memref_slice %arg3[%squeeze3A_203, %dma_start3A_217] : memref<1000000x64xf32, #tpu.memory_space<hbm>> -> memref<1x64xf32, #tpu.memory_space<hbm>>
      %dma_start3A_219 = tpu.memref_squeeze %dma_start3A_218 : memref<1x64xf32, #tpu.memory_space<hbm>> -> memref<64xf32, #tpu.memory_space<hbm>>
      tpu.enqueue_dma source(%dma_start3A_219 : memref<64xf32, #tpu.memory_space<hbm>>) target(%dma_start3A_216 : memref<64xf32, #tpu.memory_space<vmem>>) target_semaphore(%arg8 : memref<!tpu.dma_semaphore, #tpu.memory_space<semaphore_mem>>)
      %slice3A_220 = vector.extract_strided_slice %get3A_24 {offsets = [11], sizes = [1], strides = [1]} : vector<16xi32> to vector<1xi32>
      %squeeze3A_221 = vector.extract %slice3A_220[0] : i32 from vector<1xi32>
      %mul3A_222 = arith.constant 16 : i32
      %mul3A_223 = arith.muli %scan3A_21, %mul3A_222 : i32
      %add3A_224 = arith.constant 11 : i32
      %add3A_225 = arith.addi %mul3A_223, %add3A_224 : i32
      %dma_start3A_226 = arith.constant 0 : i32
      %dma_start3A_227 = tpu.memref_slice %arg6[%add3A_225, %dma_start3A_226] : memref<512x64xf32, #tpu.memory_space<vmem>> -> memref<1x64xf32, #tpu.memory_space<vmem>>
      %dma_start3A_228 = tpu.memref_squeeze %dma_start3A_227 : memref<1x64xf32, #tpu.memory_space<vmem>> -> memref<64xf32, #tpu.memory_space<vmem>>
      %dma_start3A_229 = arith.constant 0 : i32
      %dma_start3A_230 = tpu.memref_slice %arg3[%squeeze3A_221, %dma_start3A_229] : memref<1000000x64xf32, #tpu.memory_space<hbm>> -> memref<1x64xf32, #tpu.memory_space<hbm>>
      %dma_start3A_231 = tpu.memref_squeeze %dma_start3A_230 : memref<1x64xf32, #tpu.memory_space<hbm>> -> memref<64xf32, #tpu.memory_space<hbm>>
      %dma_start3A_232 = arith.constant 0 : i32
      %dma_start3A_233 = tpu.memref_slice %arg6[%add3A_225, %dma_start3A_232] : memref<512x64xf32, #tpu.memory_space<vmem>> -> memref<1x64xf32, #tpu.memory_space<vmem>>
      %dma_start3A_234 = tpu.memref_squeeze %dma_start3A_233 : memref<1x64xf32, #tpu.memory_space<vmem>> -> memref<64xf32, #tpu.memory_space<vmem>>
      %dma_start3A_235 = arith.constant 0 : i32
      %dma_start3A_236 = tpu.memref_slice %arg3[%squeeze3A_221, %dma_start3A_235] : memref<1000000x64xf32, #tpu.memory_space<hbm>> -> memref<1x64xf32, #tpu.memory_space<hbm>>
      %dma_start3A_237 = tpu.memref_squeeze %dma_start3A_236 : memref<1x64xf32, #tpu.memory_space<hbm>> -> memref<64xf32, #tpu.memory_space<hbm>>
      tpu.enqueue_dma source(%dma_start3A_237 : memref<64xf32, #tpu.memory_space<hbm>>) target(%dma_start3A_234 : memref<64xf32, #tpu.memory_space<vmem>>) target_semaphore(%arg8 : memref<!tpu.dma_semaphore, #tpu.memory_space<semaphore_mem>>)
      %slice3A_238 = vector.extract_strided_slice %get3A_24 {offsets = [12], sizes = [1], strides = [1]} : vector<16xi32> to vector<1xi32>
      %squeeze3A_239 = vector.extract %slice3A_238[0] : i32 from vector<1xi32>
      %mul3A_240 = arith.constant 16 : i32
      %mul3A_241 = arith.muli %scan3A_21, %mul3A_240 : i32
      %add3A_242 = arith.constant 12 : i32
      %add3A_243 = arith.addi %mul3A_241, %add3A_242 : i32
      %dma_start3A_244 = arith.constant 0 : i32
      %dma_start3A_245 = tpu.memref_slice %arg6[%add3A_243, %dma_start3A_244] : memref<512x64xf32, #tpu.memory_space<vmem>> -> memref<1x64xf32, #tpu.memory_space<vmem>>
      %dma_start3A_246 = tpu.memref_squeeze %dma_start3A_245 : memref<1x64xf32, #tpu.memory_space<vmem>> -> memref<64xf32, #tpu.memory_space<vmem>>
      %dma_start3A_247 = arith.constant 0 : i32
      %dma_start3A_248 = tpu.memref_slice %arg3[%squeeze3A_239, %dma_start3A_247] : memref<1000000x64xf32, #tpu.memory_space<hbm>> -> memref<1x64xf32, #tpu.memory_space<hbm>>
      %dma_start3A_249 = tpu.memref_squeeze %dma_start3A_248 : memref<1x64xf32, #tpu.memory_space<hbm>> -> memref<64xf32, #tpu.memory_space<hbm>>
      %dma_start3A_250 = arith.constant 0 : i32
      %dma_start3A_251 = tpu.memref_slice %arg6[%add3A_243, %dma_start3A_250] : memref<512x64xf32, #tpu.memory_space<vmem>> -> memref<1x64xf32, #tpu.memory_space<vmem>>
      %dma_start3A_252 = tpu.memref_squeeze %dma_start3A_251 : memref<1x64xf32, #tpu.memory_space<vmem>> -> memref<64xf32, #tpu.memory_space<vmem>>
      %dma_start3A_253 = arith.constant 0 : i32
      %dma_start3A_254 = tpu.memref_slice %arg3[%squeeze3A_239, %dma_start3A_253] : memref<1000000x64xf32, #tpu.memory_space<hbm>> -> memref<1x64xf32, #tpu.memory_space<hbm>>
      %dma_start3A_255 = tpu.memref_squeeze %dma_start3A_254 : memref<1x64xf32, #tpu.memory_space<hbm>> -> memref<64xf32, #tpu.memory_space<hbm>>
      tpu.enqueue_dma source(%dma_start3A_255 : memref<64xf32, #tpu.memory_space<hbm>>) target(%dma_start3A_252 : memref<64xf32, #tpu.memory_space<vmem>>) target_semaphore(%arg8 : memref<!tpu.dma_semaphore, #tpu.memory_space<semaphore_mem>>)
      %slice3A_256 = vector.extract_strided_slice %get3A_24 {offsets = [13], sizes = [1], strides = [1]} : vector<16xi32> to vector<1xi32>
      %squeeze3A_257 = vector.extract %slice3A_256[0] : i32 from vector<1xi32>
      %mul3A_258 = arith.constant 16 : i32
      %mul3A_259 = arith.muli %scan3A_21, %mul3A_258 : i32
      %add3A_260 = arith.constant 13 : i32
      %add3A_261 = arith.addi %mul3A_259, %add3A_260 : i32
      %dma_start3A_262 = arith.constant 0 : i32
      %dma_start3A_263 = tpu.memref_slice %arg6[%add3A_261, %dma_start3A_262] : memref<512x64xf32, #tpu.memory_space<vmem>> -> memref<1x64xf32, #tpu.memory_space<vmem>>
      %dma_start3A_264 = tpu.memref_squeeze %dma_start3A_263 : memref<1x64xf32, #tpu.memory_space<vmem>> -> memref<64xf32, #tpu.memory_space<vmem>>
      %dma_start3A_265 = arith.constant 0 : i32
      %dma_start3A_266 = tpu.memref_slice %arg3[%squeeze3A_257, %dma_start3A_265] : memref<1000000x64xf32, #tpu.memory_space<hbm>> -> memref<1x64xf32, #tpu.memory_space<hbm>>
      %dma_start3A_267 = tpu.memref_squeeze %dma_start3A_266 : memref<1x64xf32, #tpu.memory_space<hbm>> -> memref<64xf32, #tpu.memory_space<hbm>>
      %dma_start3A_268 = arith.constant 0 : i32
      %dma_start3A_269 = tpu.memref_slice %arg6[%add3A_261, %dma_start3A_268] : memref<512x64xf32, #tpu.memory_space<vmem>> -> memref<1x64xf32, #tpu.memory_space<vmem>>
      %dma_start3A_270 = tpu.memref_squeeze %dma_start3A_269 : memref<1x64xf32, #tpu.memory_space<vmem>> -> memref<64xf32, #tpu.memory_space<vmem>>
      %dma_start3A_271 = arith.constant 0 : i32
      %dma_start3A_272 = tpu.memref_slice %arg3[%squeeze3A_257, %dma_start3A_271] : memref<1000000x64xf32, #tpu.memory_space<hbm>> -> memref<1x64xf32, #tpu.memory_space<hbm>>
      %dma_start3A_273 = tpu.memref_squeeze %dma_start3A_272 : memref<1x64xf32, #tpu.memory_space<hbm>> -> memref<64xf32, #tpu.memory_space<hbm>>
      tpu.enqueue_dma source(%dma_start3A_273 : memref<64xf32, #tpu.memory_space<hbm>>) target(%dma_start3A_270 : memref<64xf32, #tpu.memory_space<vmem>>) target_semaphore(%arg8 : memref<!tpu.dma_semaphore, #tpu.memory_space<semaphore_mem>>)
      %slice3A_274 = vector.extract_strided_slice %get3A_24 {offsets = [14], sizes = [1], strides = [1]} : vector<16xi32> to vector<1xi32>
      %squeeze3A_275 = vector.extract %slice3A_274[0] : i32 from vector<1xi32>
      %mul3A_276 = arith.constant 16 : i32
      %mul3A_277 = arith.muli %scan3A_21, %mul3A_276 : i32
      %add3A_278 = arith.constant 14 : i32
      %add3A_279 = arith.addi %mul3A_277, %add3A_278 : i32
      %dma_start3A_280 = arith.constant 0 : i32
      %dma_start3A_281 = tpu.memref_slice %arg6[%add3A_279, %dma_start3A_280] : memref<512x64xf32, #tpu.memory_space<vmem>> -> memref<1x64xf32, #tpu.memory_space<vmem>>
      %dma_start3A_282 = tpu.memref_squeeze %dma_start3A_281 : memref<1x64xf32, #tpu.memory_space<vmem>> -> memref<64xf32, #tpu.memory_space<vmem>>
      %dma_start3A_283 = arith.constant 0 : i32
      %dma_start3A_284 = tpu.memref_slice %arg3[%squeeze3A_275, %dma_start3A_283] : memref<1000000x64xf32, #tpu.memory_space<hbm>> -> memref<1x64xf32, #tpu.memory_space<hbm>>
      %dma_start3A_285 = tpu.memref_squeeze %dma_start3A_284 : memref<1x64xf32, #tpu.memory_space<hbm>> -> memref<64xf32, #tpu.memory_space<hbm>>
      %dma_start3A_286 = arith.constant 0 : i32
      %dma_start3A_287 = tpu.memref_slice %arg6[%add3A_279, %dma_start3A_286] : memref<512x64xf32, #tpu.memory_space<vmem>> -> memref<1x64xf32, #tpu.memory_space<vmem>>
      %dma_start3A_288 = tpu.memref_squeeze %dma_start3A_287 : memref<1x64xf32, #tpu.memory_space<vmem>> -> memref<64xf32, #tpu.memory_space<vmem>>
      %dma_start3A_289 = arith.constant 0 : i32
      %dma_start3A_290 = tpu.memref_slice %arg3[%squeeze3A_275, %dma_start3A_289] : memref<1000000x64xf32, #tpu.memory_space<hbm>> -> memref<1x64xf32, #tpu.memory_space<hbm>>
      %dma_start3A_291 = tpu.memref_squeeze %dma_start3A_290 : memref<1x64xf32, #tpu.memory_space<hbm>> -> memref<64xf32, #tpu.memory_space<hbm>>
      tpu.enqueue_dma source(%dma_start3A_291 : memref<64xf32, #tpu.memory_space<hbm>>) target(%dma_start3A_288 : memref<64xf32, #tpu.memory_space<vmem>>) target_semaphore(%arg8 : memref<!tpu.dma_semaphore, #tpu.memory_space<semaphore_mem>>)
      %slice3A_292 = vector.extract_strided_slice %get3A_24 {offsets = [15], sizes = [1], strides = [1]} : vector<16xi32> to vector<1xi32>
      %squeeze3A_293 = vector.extract %slice3A_292[0] : i32 from vector<1xi32>
      %mul3A_294 = arith.constant 16 : i32
      %mul3A_295 = arith.muli %scan3A_21, %mul3A_294 : i32
      %add3A_296 = arith.constant 15 : i32
      %add3A_297 = arith.addi %mul3A_295, %add3A_296 : i32
      %dma_start3A_298 = arith.constant 0 : i32
      %dma_start3A_299 = tpu.memref_slice %arg6[%add3A_297, %dma_start3A_298] : memref<512x64xf32, #tpu.memory_space<vmem>> -> memref<1x64xf32, #tpu.memory_space<vmem>>
      %dma_start3A_300 = tpu.memref_squeeze %dma_start3A_299 : memref<1x64xf32, #tpu.memory_space<vmem>> -> memref<64xf32, #tpu.memory_space<vmem>>
      %dma_start3A_301 = arith.constant 0 : i32
      %dma_start3A_302 = tpu.memref_slice %arg3[%squeeze3A_293, %dma_start3A_301] : memref<1000000x64xf32, #tpu.memory_space<hbm>> -> memref<1x64xf32, #tpu.memory_space<hbm>>
      %dma_start3A_303 = tpu.memref_squeeze %dma_start3A_302 : memref<1x64xf32, #tpu.memory_space<hbm>> -> memref<64xf32, #tpu.memory_space<hbm>>
      %dma_start3A_304 = arith.constant 0 : i32
      %dma_start3A_305 = tpu.memref_slice %arg6[%add3A_297, %dma_start3A_304] : memref<512x64xf32, #tpu.memory_space<vmem>> -> memref<1x64xf32, #tpu.memory_space<vmem>>
      %dma_start3A_306 = tpu.memref_squeeze %dma_start3A_305 : memref<1x64xf32, #tpu.memory_space<vmem>> -> memref<64xf32, #tpu.memory_space<vmem>>
      %dma_start3A_307 = arith.constant 0 : i32
      %dma_start3A_308 = tpu.memref_slice %arg3[%squeeze3A_293, %dma_start3A_307] : memref<1000000x64xf32, #tpu.memory_space<hbm>> -> memref<1x64xf32, #tpu.memory_space<hbm>>
      %dma_start3A_309 = tpu.memref_squeeze %dma_start3A_308 : memref<1x64xf32, #tpu.memory_space<hbm>> -> memref<64xf32, #tpu.memory_space<hbm>>
      tpu.enqueue_dma source(%dma_start3A_309 : memref<64xf32, #tpu.memory_space<hbm>>) target(%dma_start3A_306 : memref<64xf32, #tpu.memory_space<vmem>>) target_semaphore(%arg8 : memref<!tpu.dma_semaphore, #tpu.memory_space<semaphore_mem>>)
    }
    %scan3A_6 = arith.constant 32 : i32
    %iota3A = tpu.iota {dimensions = array<i32: 0>} : vector<16xi32>
    %mul3A_7 = arith.constant 2 : i32
    %mul3A_8 = vector.broadcast %mul3A_7 : i32 to vector<16xi32>
    %mul3A_9 = arith.muli %mul3A_8, %iota3A : vector<16xi32>
    %add3A_10 = arith.constant 0 : i32
    %add3A_11 = vector.broadcast %add3A_10 : i32 to vector<16xi32>
    %add3A_12 = arith.addi %add3A_11, %mul3A_9 : vector<16xi32>
    %add3A_13 = arith.constant 1 : i32
    %add3A_14 = vector.broadcast %add3A_13 : i32 to vector<16xi32>
    %add3A_15 = arith.addi %add3A_12, %add3A_14 : vector<16xi32>
    %scan3A_16 = arith.constant 0 : i32
    %scan3A_17 = arith.constant 512 : i32
    %scan3A_18 = arith.addi %scan3A_16, %scan3A_17 : i32
    %scan3A_19 = arith.constant 1 : i32
    scf.for %scan3A_21 = %scan3A_16 to %scan3A_18 step %scan3A_19  : i32 {
      %dma_wait3A = arith.constant 0 : i32
      %dma_wait3A_22 = arith.constant 0 : i32
      %dma_wait3A_23 = arith.constant 0 : i32
      %dma_wait3A_24 = tpu.memref_slice %arg6[%dma_wait3A_22, %dma_wait3A_23] : memref<512x64xf32, #tpu.memory_space<vmem>> -> memref<1x64xf32, #tpu.memory_space<vmem>>
      %dma_wait3A_25 = tpu.memref_squeeze %dma_wait3A_24 : memref<1x64xf32, #tpu.memory_space<vmem>> -> memref<64xf32, #tpu.memory_space<vmem>>
      %dma_wait3A_26 = arith.constant 0 : i32
      %dma_wait3A_27 = tpu.memref_slice %arg3[%dma_wait3A, %dma_wait3A_26] : memref<1000000x64xf32, #tpu.memory_space<hbm>> -> memref<1x64xf32, #tpu.memory_space<hbm>>
      %dma_wait3A_28 = tpu.memref_squeeze %dma_wait3A_27 : memref<1x64xf32, #tpu.memory_space<hbm>> -> memref<64xf32, #tpu.memory_space<hbm>>
      %dma_wait3A_29 = arith.constant 0 : i32
      %dma_wait3A_30 = tpu.memref_slice %arg6[%dma_wait3A_22, %dma_wait3A_29] : memref<512x64xf32, #tpu.memory_space<vmem>> -> memref<1x64xf32, #tpu.memory_space<vmem>>
      %dma_wait3A_31 = tpu.memref_squeeze %dma_wait3A_30 : memref<1x64xf32, #tpu.memory_space<vmem>> -> memref<64xf32, #tpu.memory_space<vmem>>
      %dma_wait3A_32 = arith.constant 0 : i32
      %dma_wait3A_33 = tpu.memref_slice %arg3[%dma_wait3A, %dma_wait3A_32] : memref<1000000x64xf32, #tpu.memory_space<hbm>> -> memref<1x64xf32, #tpu.memory_space<hbm>>
      %dma_wait3A_34 = tpu.memref_squeeze %dma_wait3A_33 : memref<1x64xf32, #tpu.memory_space<hbm>> -> memref<64xf32, #tpu.memory_space<hbm>>
      tpu.wait_dma2 semaphore(%arg8 : memref<!tpu.dma_semaphore, #tpu.memory_space<semaphore_mem>>) src(%dma_wait3A_34 : memref<64xf32, #tpu.memory_space<hbm>>) dst(%dma_wait3A_31 : memref<64xf32, #tpu.memory_space<vmem>>)
      %broadcast_in_dim3A = vector.broadcast %scan3A_21 : i32 to vector<16xi32>
      %add3A_35 = arith.constant 0 : i32
      %add3A_36 = vector.broadcast %add3A_35 : i32 to vector<16xi32>
      %add3A_37 = arith.addi %add3A_36, %add3A_12 : vector<16xi32>
      %gather3A = tpu.vector_load_idx %arg6[%broadcast_in_dim3A, %add3A_37] : memref<512x64xf32, #tpu.memory_space<vmem>>[vector<16xi32>, vector<16xi32>], vector<16xf32>,
      %add3A_38 = arith.constant 0 : i32
      %add3A_39 = vector.broadcast %add3A_38 : i32 to vector<16xi32>
      %add3A_40 = arith.addi %add3A_39, %add3A_15 : vector<16xi32>
      %gather3A_41 = tpu.vector_load_idx %arg6[%broadcast_in_dim3A, %add3A_40] : memref<512x64xf32, #tpu.memory_space<vmem>>[vector<16xi32>, vector<16xi32>], vector<16xf32>,
      %pack3A = tpu.pack_subelements %gather3A, %gather3A_41 {pack_format = #tpu.pack_format<interleaved>, positions = array<i32: 0, 1>} : vector<16xf32>, vector<16xf32> -> vector<32xbf16>
      %swap3A = arith.index_cast %scan3A_21 : i32 to index
      %swap3A_42 = arith.constant 0 : index
      %swap3A_43 = tpu.vector_load %arg7[%swap3A, %swap3A_42] {strides = array<i32>} : memref<512x64xbf16, #tpu.memory_space<vmem>>, vector<32xbf16>,
      tpu.vector_store %arg7[%swap3A, %swap3A_42], %pack3A {strides = array<i32>} : memref<512x64xbf16, #tpu.memory_space<vmem>>, vector<32xbf16>,
      %add3A_44 = arith.constant 32 : i32
      %add3A_45 = vector.broadcast %add3A_44 : i32 to vector<16xi32>
      %add3A_46 = arith.addi %add3A_45, %add3A_12 : vector<16xi32>
      %gather3A_47 = tpu.vector_load_idx %arg6[%broadcast_in_dim3A, %add3A_46] : memref<512x64xf32, #tpu.memory_space<vmem>>[vector<16xi32>, vector<16xi32>], vector<16xf32>,
      %add3A_48 = arith.constant 32 : i32
      %add3A_49 = vector.broadcast %add3A_48 : i32 to vector<16xi32>
      %add3A_50 = arith.addi %add3A_49, %add3A_15 : vector<16xi32>
      %gather3A_51 = tpu.vector_load_idx %arg6[%broadcast_in_dim3A, %add3A_50] : memref<512x64xf32, #tpu.memory_space<vmem>>[vector<16xi32>, vector<16xi32>], vector<16xf32>,
      %pack3A_52 = tpu.pack_subelements %gather3A_47, %gather3A_51 {pack_format = #tpu.pack_format<interleaved>, positions = array<i32: 0, 1>} : vector<16xf32>, vector<16xf32> -> vector<32xbf16>
      %swap3A_53 = arith.index_cast %scan3A_21 : i32 to index
      %swap3A_54 = arith.constant 32 : index
      %swap3A_55 = tpu.vector_load %arg7[%swap3A_53, %swap3A_54] {strides = array<i32>} : memref<512x64xbf16, #tpu.memory_space<vmem>>, vector<32xbf16>,
      tpu.vector_store %arg7[%swap3A_53, %swap3A_54], %pack3A_52 {strides = array<i32>} : memref<512x64xbf16, #tpu.memory_space<vmem>>, vector<32xbf16>,
    }
    %scan3A_20 = arith.constant 512 : i32
    "tpu.region"() ({
      %run_scoped3A = tpu.sem_alloc : memref<!tpu.dma_semaphore, #tpu.memory_space<semaphore_mem>>
      %dma_start3A = arith.constant 0 : i32
      %dma_start3A_21 = tpu.memref_slice %arg4[%multiple_of3A, %dma_start3A] : memref<16384x64xbf16, #tpu.memory_space<hbm>> -> memref<512x64xbf16, #tpu.memory_space<hbm>>
      %dma_start3A_22 = arith.constant 0 : i32
      %dma_start3A_23 = tpu.memref_slice %arg4[%multiple_of3A, %dma_start3A_22] : memref<16384x64xbf16, #tpu.memory_space<hbm>> -> memref<512x64xbf16, #tpu.memory_space<hbm>>
      tpu.enqueue_dma source(%arg7 : memref<512x64xbf16, #tpu.memory_space<vmem>>) target(%dma_start3A_23 : memref<512x64xbf16, #tpu.memory_space<hbm>>) target_semaphore(%run_scoped3A : memref<!tpu.dma_semaphore, #tpu.memory_space<semaphore_mem>>)
      %dma_wait3A = arith.constant 0 : i32
      %dma_wait3A_24 = tpu.memref_slice %arg4[%multiple_of3A, %dma_wait3A] : memref<16384x64xbf16, #tpu.memory_space<hbm>> -> memref<512x64xbf16, #tpu.memory_space<hbm>>
      %dma_wait3A_25 = arith.constant 0 : i32
      %dma_wait3A_26 = tpu.memref_slice %arg4[%multiple_of3A, %dma_wait3A_25] : memref<16384x64xbf16, #tpu.memory_space<hbm>> -> memref<512x64xbf16, #tpu.memory_space<hbm>>
      tpu.wait_dma2 semaphore(%run_scoped3A : memref<!tpu.dma_semaphore, #tpu.memory_space<semaphore_mem>>) src(%arg7 : memref<512x64xbf16, #tpu.memory_space<vmem>>) dst(%dma_wait3A_26 : memref<512x64xbf16, #tpu.memory_space<hbm>>)
      tpu.yield
    }) : () -> ()
    return
  }
}

</mosaic_0001>

<sc_bundles>
// kernel: kernel.3.cloned.1.call-start
scs
__scs_entry_jumppad:
0x0: {  	(pc) =	sbr.rel $0x88, $3  }
0x1: {  	(tag) =	ssettag $0x0;
	lr =	simm.s32 $0x1  }
0x2: {  	[smem:$0x3F9F] =	sst lr;
	_ =	strace $0xD0000000  }
0x3: {  	_ = 	snop  }
0x4: {  	_ = 	snop  }
0x5: {  	_ = 	snop  }
0x6: {  	_ = 	snop  }
0x7: {  	_ = 	snop  }
__scs_overlays_trampoline_lowered:
0x8: {  	[smem:$0x3FAE] =	sst s0  }
0x9: {  	[smem:$0x3FAF] =	sst s1  }
0xa: {  	[smem:$0x3FB0] =	sst s2  }
0xb: {  	[smem:$0x3FB1] =	sst s3  }
0xc: {  	[smem:$0x3FB2] =	sst s4  }
0xd: {  	[smem:$0x3FB3] =	sst s5  }
0xe: {  	[smem:$0x3FB4] =	sst s6  }
0xf: {  	[smem:$0x3FB5] =	sst s7  }
0x10: {  	[smem:$0x3FB6] =	sst s8  }
0x11: {  	[smem:$0x3FB7] =	sst s9;
	s0 =	simm.s32 @!p0 $0x0  }
0x12: {  	s1 =	sld [smem:$0x3F9D];
	s0 =	simm.s32 @p0 $0x1  }
0x13: {  	[smem:$0x3FB8] =	sst s0;
	s0 =	simm.s32 @!p1 $0x0  }
0x14: {  	s2 =	sld [smem:$0x3F9C];
	s0 =	simm.s32 @p1 $0x1  }
0x15: {  	[smem:$0x3FB9] =	sst s0;
	s0 =	simm.s32 @!p2 $0x0  }
0x16: {  	s3 =	sld [smem:$0x3FDB];
	s0 =	simm.s32 @p2 $0x1  }
0x17: {  	s4 =	simm.s32 $0x1BF5;
	[smem:$0x3FBB] =	sst s0  }
0x18: {  	s0 =	sld [smem:$0x3F9E];
	_ =	swait.ge [sflag:s4], $0x0  }
0x19: {  	s7 =	sld [smem:$0x3F9F]  }
0x1a: {  	s8 =	sadd.s32 $0xFFFFE003, lr  }
0x1b: {  	s9 =	sadd.s32 $0xFFFFFEF7, lr;
	s5 =	simm.s32 $0xFFFFFFFF;
	p2 =	slt.u32 s8, $0xFFFFF086  }
0x1c: {  	p1 =	slt.u32 s9, $0xF7A;
	s5 =	simm.s32 @!p2 $0x0  }
0x1d: {  	s5 =	simm.s32 @p1 $0x1;
	p0 =	seq.s32 s7, s2  }
0x1e: {  	s7 =	smul.u32 @!p0 $0xF7A, s2;
	p2 =	seq.s32 @!p0 s5, $0x0  }
0x1f: {  	s9 =	smul.u32 $0xF7A, s1;
	s8 =	simm.s32 @!p0 $0x1BF5;
	p2 =	por !p2, p0  }
0x20: {  	[sflag:s8] =	ssyncset.s32 @!p0 $0xFFFFF086;
	s6 =	sadd.s32 @!p0 s3, s7;
	s7 =	simm.s32 @!p0 $0x108  }
0x21: {  	s3 =	sadd.s32 s3, s9;
	s6 =	sadd.s32 @!p0 $0x88, s6;
	s7 =	simm.s32 @p2 $0x1082  }
0x22: {  	[simem:s7], [sflag:s8] =	dma.local @!p0 [hbm:s6], $0xF7A  }
0x23: {  	s9 =	sor.u32 $0xD0000000, s2;
	s6 =	simm.s32 $0x108;
	_ =	swait.ge @!p0 [sflag:s8], $0x0  }
0x24: {  	s3 =	sadd.s32 $0x88, s3;
	s6 =	simm.s32 @!p1 $0x1082;
	[sflag:s4] =	ssyncset.s32 $0xFFFFF086  }
0x25: {  	[simem:s6], [sflag:s4] =	dma.local [hbm:s3], $0xF7A  }
0x26: {  	[smem:$0x3F9F] =	sst s1;
	(tag) =	ssettag s2;
	_ =	strace s9  }
0x27: {  	s1 =	sld [smem:$0x3FAF]  }
0x28: {  	s2 =	sld [smem:$0x3FB0]  }
0x29: {  	s4 =	sld [smem:$0x3FB2]  }
0x2a: {  	p0 =	seq.s32 s5, $0x0;
	s5 =	sld [smem:$0x3FB3]  }
0x2b: {  	s6 =	sld [smem:$0x3FB4]  }
0x2c: {  	s7 =	sld [smem:$0x3FB5]  }
0x2d: {  	s3 =	simm.s32 $0x108;
	s8 =	sld [smem:$0x3FB6]  }
0x2e: {  	s3 =	simm.s32 @!p0 $0x1082;
	s9 =	sld [smem:$0x3FB7]  }
0x2f: {  	lr =	sadd.s32 s0, s3;
	s0 =	sld [smem:$0x3FAE]  }
0x30: {  	s3 =	sld [smem:$0x3FB1]  }
0x31: {  	[smem:$0x3FBA] =	sst s10  }
0x32: {  	s10 =	sld [smem:$0x3FB8];
	_ =	sdelay $0x3  }
0x33: {  	p0 =	seq.s32 s10, $0x1;
	s10 =	sld [smem:$0x3FBA];
	_ =	sdelay $0x3  }
0x34: {  	[smem:$0x3FBA] =	sst s10  }
0x35: {  	s10 =	sld [smem:$0x3FB9];
	_ =	sdelay $0x3  }
0x36: {  	p1 =	seq.s32 s10, $0x1;
	s10 =	sld [smem:$0x3FBA];
	_ =	sdelay $0x3  }
0x37: {  	[smem:$0x3FBA] =	sst s10  }
0x38: {  	s10 =	sld [smem:$0x3FBB]  }
0x39: {  	_ = 	snop;
	(pc) =	sbr.ind lr, $3  }
0x3a: {  	_ = 	snop  }
0x3b: {  	_ = 	snop  }
0x3c: {  	p2 =	seq.s32 s10, $0x1;
	s10 =	sld [smem:$0x3FBA]  }
0x3d: {  	_ =	shalt  }
0x3e: {  	_ =	shalt  }
0x3f: {  	_ =	shalt  }
0x40: {  	_ =	shalt  }
0x41: {  	_ =	shalt  }
0x42: {  	_ =	shalt  }
0x43: {  	_ =	shalt  }
0x44: {  	_ =	shalt  }
0x45: {  	_ =	shalt  }
0x46: {  	_ =	shalt  }
0x47: {  	_ =	shalt  }
0x48: {  	_ =	shalt  }
0x49: {  	_ =	shalt  }
0x4a: {  	_ =	shalt  }
0x4b: {  	_ =	shalt  }
0x4c: {  	_ =	shalt  }
0x4d: {  	_ =	shalt  }
0x4e: {  	_ =	shalt  }
0x4f: {  	_ =	shalt  }
0x50: {  	_ =	shalt  }
0x51: {  	_ =	shalt  }
0x52: {  	_ =	shalt  }
0x53: {  	_ =	shalt  }
0x54: {  	_ =	shalt  }
0x55: {  	_ =	shalt  }
0x56: {  	_ =	shalt  }
0x57: {  	_ =	shalt  }
0x58: {  	_ =	shalt  }
0x59: {  	_ =	shalt  }
0x5a: {  	_ =	shalt  }
0x5b: {  	_ =	shalt  }
0x5c: {  	_ =	shalt  }
0x5d: {  	_ =	shalt  }
0x5e: {  	_ =	shalt  }
0x5f: {  	_ =	shalt  }
0x60: {  	_ =	shalt  }
0x61: {  	_ =	shalt  }
0x62: {  	_ =	shalt  }
0x63: {  	_ =	shalt  }
0x64: {  	_ =	shalt  }
0x65: {  	_ =	shalt  }
0x66: {  	_ =	shalt  }
0x67: {  	_ =	shalt  }
0x68: {  	_ =	shalt  }
0x69: {  	_ =	shalt  }
0x6a: {  	_ =	shalt  }
0x6b: {  	_ =	shalt  }
0x6c: {  	_ =	shalt  }
0x6d: {  	_ =	shalt  }
0x6e: {  	_ =	shalt  }
0x6f: {  	_ =	shalt  }
0x70: {  	_ =	shalt  }
0x71: {  	_ =	shalt  }
0x72: {  	_ =	shalt  }
0x73: {  	_ =	shalt  }
0x74: {  	_ =	shalt  }
0x75: {  	_ =	shalt  }
0x76: {  	_ =	shalt  }
0x77: {  	_ =	shalt  }
0x78: {  	_ =	shalt  }
0x79: {  	_ =	shalt  }
0x7a: {  	_ =	shalt  }
0x7b: {  	_ =	shalt  }
0x7c: {  	_ =	shalt  }
0x7d: {  	_ =	shalt  }
0x7e: {  	_ =	shalt  }
0x7f: {  	_ =	shalt  }
0x80: {  	_ =	shalt  }
0x81: {  	_ =	shalt  }
0x82: {  	_ =	shalt  }
0x83: {  	_ =	shalt  }
0x84: {  	_ =	shalt  }
0x85: {  	_ =	shalt  }
0x86: {  	_ =	shalt  }
0x87: {  	_ =	shalt  }
.Lfunc_end0:
.L_simem_size_0:
called_computation_lowered:
.L_overlay_start_0:
0x88: {  	s2 =	sld [smem:$0x3FD9]  }
0x89: {  	s3 =	sld [smem:$0x3FFE];
	_ =	sdelay $0x1  }
0x8a: {  	s1 =	srdreg.scid  }
0x8b: {  	s0 =	sand.u32 $0x1, s1  }
0x8c: {  	s17 =	sshll.u32 s0, $0xA;
	s2 =	sadd.s32 s3, s2  }
0x8d: {  	s2 =	sadd.s32 s2, s17  }
0x8e: {  	[smem:$0x3FC6] =	sst s2  }
0x8f: {  	_ = 	snop  }
0x90: {  	s2 =	sld [smem:$0x3FC9];
	(tm) =	ssettm $0x1  }
0x91: {  	s18 =	sld [smem:$0x3FFB];
	_ =	sdelay $0x3  }
0x92: {  	_ =	strace s18  }
0x93: {  	s3 =	sld [smem:$0x3FFC];
	_ =	sdelay $0x3  }
0x94: {  	_ =	strace s3  }
0x95: {  	s3 =	sld [smem:$0x3FFD];
	_ =	sdelay $0x3  }
0x96: {  	_ =	strace s3  }
0x97: {  	_ =	strace $0x8FFFFFFF  }
0x98: {  	s19 =	sld [smem:$0x3FDB];
	_ =	sdelay $0x1  }
0x99: {  	s4 =	simm.s32 $_scs_section_size  }
0x9a: {  	s5 =	simm.s32 $_size__tile_overlayer_lowered;
	s6 =	simm.s32 $_tile_overlayer_lowered  }
0x9b: {  	s22 =	simm.s32 $0x1BFF;
	s21 =	sshll.u32 s6, $0x1;
	s3 =	sadd.s32 s4, s19  }
0x9c: {  	s7 =	simm.s32 $0x0;
	s20 =	sshll.u32 s5, $0x1;
	s5 =	sadd.s32 s21, s3  }
0x9d: {  	[timem:s7], [sflag:s22] =	dma.local [hbm:s5], s20  }
0x9e: {  	_ =	swait.ge [sflag:s22], s20  }
0x9f: {  	s4 =	ssub.s32 $0x0, s20;
	[sflag:s22] =	ssyncset.done $0x0  }
0xa0: {  	[sflag:s22] =	ssyncadd.s32 s4;
	_ =	sdelay $0x1  }
0xa1: {  	s23 =	simm.s32 $0x1B8B  }
0xa2: {  	_ =	swait.ge [sflag:s23], $0x1  }
0xa3: {  	[sflag:s23] =	ssyncset.done $0x0  }
0xa4: {  	s25 =	simm.s32 $0x1B8E;
	s24 =	sld [smem:$0x3FFE];
	[sflag:s23] =	ssyncadd.s32 $0xFFFFFFFF  }
0xa5: {  	s26 =	simm.s32 $execute0_lowered;
	[smem:$0x3FD2] =	sst s25  }
0xa6: {  	s5 =	sshll.u32 s26, $0x1;
	_ =	strace $0x80000046;
	[dreg:$0x1] =	wrdreg $0xFFFFFFFF  }
0xa7: {  	s28 =	simm.s32 $_size_execute0_lowered;
	s3 =	sadd.s32 s3, s5;
	[dreg:$0x0] =	wrdreg $0x0  }
0xa8: {  	s5 =	sshll.u32 s28, $0x1;
	[dreg:$0x2] =	wrdreg s3  }
0xa9: {  	[dreg:$0x3] =	wrdreg s5  }
0xaa: {  	[dreg:$0x4] =	wrdreg $0xC0  }
0xab: {  	_ =	task [dreg:s7], $0x5FFFF  }
0xac: {  	[dreg:$0x1] =	wrdreg $0xFFFFFFFF  }
0xad: {  	[dreg:$0x0] =	wrdreg $0x60  }
0xae: {  	[dreg:$0x2] =	wrdreg s2  }
0xaf: {  	[dreg:$0x3] =	wrdreg s24  }
0xb0: {  	[dreg:$0x4] =	wrdreg $0x9  }
0xb1: {  	_ =	task.clear_ibuf [dreg:s7], $0x5FFFF;
	_ =	strace $0x90000046  }
0xb2: {  	s29 =	simm.s32 $0x9;
	_ =	strace $0x80000048  }
0xb3: {  	_ =	swait.ge [sflag:s29], $0x1  }
0xb4: {  	[sflag:s29] =	ssyncadd.s32 $0xFFFFFFFF  }
0xb5: {  	_ =	strace $0x90000048  }
0xb6: {  	_ =	sfence  }
0xb7: {  	s30 =	sld [smem:$0x0];
	_ =	sdelay $0x2  }
0xb8: {  	s31 =	sshll.u32 s1, $0xD;
	s1 =	sshrl.u32 s1, $0x2  }
0xb9: {  	s3 =	sand.u32 $0x4000, s31;
	s1 =	sadd.s32 s1, s30  }
0xba: {  	s0 =	sor.u32 s3, s0;
	s1 =	sshll.u32 s1, $0x11  }
0xbb: {  	s0 =	sor.u32 s1, s0  }
0xbc: {  	s0 =	sadd.s32 $0x8F2B, s0  }
0xbd: {  	[sflag:s0] =	ssyncadd.remote.s32 $0x1  }
0xbe: {  	_ =	sfence.sel $0xFFFF  }
0xbf: {  	[dreg:$0x0] =	wrdreg $0xFFFFFFFF;
	(pc) =	sbr.abs _section_cstart, $3  }
0xc0: {  	[dreg:$0x1] =	wrdreg $0xFFFFFFFF  }
0xc1: {  	_ =	task.clear_ibuf [dreg:s7], $0x2FFFF;
	_ =	strace $0x9FFFFFFF  }
0xc2: {  	(tm) =	ssettm $0x7FFFFFFF  }
0xc3: {  	_ =	shalt  }
tec
execute0_lowered:
.L_overlay_start_1:
0x0: {  	(tag) =	ssettag $0x1  }
0x1: {  	s4 =	rddreg [dreg:$0x0]  }
0x2: {  	s5 =	rddreg [dreg:$0x1]  }
0x3: {  	s3 =	srdreg.scid;
	s2 =	simm.s32 $0x0;
	s0 =	stileid.u32  }
0x4: {  	s9 =	simm.s32 $0x200;
	s10 =	simm.s32 $0x10200;
	s11 =	simm.s32 $0x0  }
0x5: {  	s6 =	sand.u32 $0x1, s3;
	[smem:$0x7FF] =	sst s2;
	s30 =	sshll.u32 s0, $0xA  }
0x6: {  	s3 =	sadd.s32 $0x400, s5;
	s7 =	sshll.u32 s6, $0x9;
	s6 =	ssub.s32 $0x2, s6  }
0x7: {  	v0 =	vlaneseq.u32;
	_ =	strace $0x80000047;
	s7 =	sor.u32 s7, s30;
	s31 =	sshrl.u32 s6, $0x1  }
0x8: {  	v0 =	vmul.u32 $0x2, v0;
	s8 =	sshll.u32 s7, $0x3;
	s7 =	sshrl.u32 s7, $0x3;
	s6 =	ssub.s32 s6, s31  }
0x9: {  	s5 =	sadd.s32 s8, s5;
	s4 =	sadd.s32 s4, s7;
	s6 =	smax.u32 s6, $0x1  }
0xa: {  	v1 =	vor.u32 $0x1, v0;
	v2 =	vor.u32 $0x20, v0;
	v3 =	vor.u32 $0x21, v0;
	s7 =	simm.s32 $0x2;
	s8 =	simm.s32 $0x1;
	s5 =	sadd.s32 $0xF42800, s5  }
.LBB2_1:
0xb: {  	[tilespmem:s2], [sflag:$0x2] =	stream.linear.gather [hbm4b:s4+s2], $0x200, $0x38;
	[tilespmem:$0x18200] =	vst v63  }
0xc: {  	_ =	swait.ge [sflag:s7], $0x200  }
0xd: {  	[sflag:s7] =	ssyncset.done $0x0  }
0xe: {  	[sflag:s7] =	ssyncadd.s32 $0xFFFFFE00  }
0xf: {  	v4 =	vld [tilespmem:s2+$0x0];
	_ =	sdelay $0x4  }
0x10: {  	v4 =	vshll.u32 v4, $0x4  }
0x11: {  	(v2sf) =	vpush v4, $0x0  }
0x12: {  	(v2sf) =	vpush v4, $0x1  }
0x13: {  	(v2sf) =	vpush v4, $0x2;
	_ =	sdelay $0x1  }
0x14: {  	(v2sf) =	vpush v4, $0x4;
	_ =	sdelay $0x1  }
0x15: {  	(v2sf) =	vpush v4, $0x3  }
0x16: {  	(v2sf) =	vpush v4, $0x5  }
0x17: {  	s14 =	simm.s32 $0x2000;
	s13 =	simm.s32 $0x0;
	s15 =	simm.s32 $0x0;
	(v2sf) =	vpush v4, $0x6  }
.LBB2_2:
0x18: {  	p0 =	sne.s32 s14, $0x3E000  }
0x19: {  	s25 =	sadd.s32 $0x280, s13;
	s19 =	sadd.s32 $0x780, s13;
	s16 =	smov.u32 s14  }
0x1a: {  	s14 =	sadd.s32 $0x2000, s14;
	s22 =	sadd.s32 $0x580, s13;
	s17 =	sadd.s32 $0x800, s13;
	(v2sf) =	vpush v4, $0x7  }
0x1b: {  	s24 =	sadd.s32 $0x480, s13;
	s20 =	sadd.s32 $0x600, s13;
	s18 =	sadd.s32 $0x880, s13  }
0x1c: {  	s26 =	sadd.s32 $0x200, s13;
	s28 =	sadd.s32 $0x400, s13;
	(v2sf) =	vpush v4, $0x8  }
0x1d: {  	s12 =	simm.s32 $0x0;
	s29 =	sadd.s32 $0x500, s13;
	s15 =	sadd.s32 $0x10, s15  }
0x1e: {  	s30 =	sadd.s32 $0x300, s13;
	s21 =	sadd.s32 $0x700, s13;
	s23 =	spop (v2sf);
	(v2sf) =	vpush v4, $0x9  }
0x1f: {  	s31 =	sand.u32 $0x1FFFFFF0, s23;
	s23 =	sadd.s32 $0x680, s13;
	s0 =	spop (v2sf)  }
0x20: {  	s31 =	sadd.s32 s3, s31;
	s0 =	sand.u32 $0x1FFFFFF0, s0;
	s1 =	spop (v2sf);
	(v2sf) =	vpush v4, $0xA  }
0x21: {  	[tilespmem:s26], [sflag:$0x1] =	stream.linear.gather [hbm4b:s31+s12], $0x80, $0x38;
	[tilespmem:$0x18200] =	vst v63  }
0x22: {  	s0 =	sadd.s32 s3, s0;
	s26 =	sadd.s32 $0x380, s13;
	s31 =	spop (v2sf);
	(v2sf) =	vpush v4, $0xB  }
0x23: {  	[tilespmem:s25], [sflag:$0x1] =	stream.linear.gather [hbm4b:s0+s12], $0x80, $0x38;
	[tilespmem:$0x18200] =	vst v63  }
0x24: {  	s0 =	sand.u32 $0x1FFFFFF0, s1;
	s1 =	sand.u32 $0x1FFFFFF0, s31;
	s25 =	spop (v2sf);
	(v2sf) =	vpush v4, $0xC  }
0x25: {  	s0 =	sadd.s32 s3, s0;
	s25 =	sand.u32 $0x1FFFFFF0, s25;
	s31 =	spop (v2sf)  }
0x26: {  	[tilespmem:s30], [sflag:$0x1] =	stream.linear.gather [hbm4b:s0+s12], $0x80, $0x38;
	(v2sf) =	vpush v4, $0xD;
	[tilespmem:$0x18200] =	vst v63  }
0x27: {  	s0 =	sadd.s32 s3, s25;
	s25 =	sand.u32 $0x1FFFFFF0, s31;
	s30 =	spop (v2sf)  }
0x28: {  	[tilespmem:s26], [sflag:$0x1] =	stream.linear.gather [hbm4b:s0+s12], $0x80, $0x38;
	(v2sf) =	vpush v4, $0xE;
	[tilespmem:$0x18200] =	vst v63  }
0x29: {  	s0 =	sadd.s32 s3, s1;
	s1 =	sand.u32 $0x1FFFFFF0, s30;
	s26 =	spop (v2sf)  }
0x2a: {  	[tilespmem:s28], [sflag:$0x1] =	stream.linear.gather [hbm4b:s0+s12], $0x80, $0x38;
	(v2sf) =	vpush v4, $0xF;
	[tilespmem:$0x18200] =	vst v63  }
0x2b: {  	s0 =	sadd.s32 s3, s25;
	s25 =	sand.u32 $0x1FFFFFF0, s26;
	s26 =	spop (v2sf)  }
0x2c: {  	[tilespmem:s24], [sflag:$0x1] =	stream.linear.gather [hbm4b:s0+s12], $0x80, $0x38;
	[tilespmem:$0x18200] =	vst v63  }
0x2d: {  	s0 =	sadd.s32 s3, s1;
	s1 =	sand.u32 $0x1FFFFFF0, s26;
	s24 =	spop (v2sf)  }
0x2e: {  	[tilespmem:s29], [sflag:$0x1] =	stream.linear.gather [hbm4b:s0+s12], $0x80, $0x38;
	[tilespmem:$0x18200] =	vst v63  }
0x2f: {  	s0 =	sadd.s32 s3, s25;
	s24 =	sand.u32 $0x1FFFFFF0, s24;
	s25 =	spop (v2sf)  }
0x30: {  	[tilespmem:s22], [sflag:$0x1] =	stream.linear.gather [hbm4b:s0+s12], $0x80, $0x38;
	[tilespmem:$0x18200] =	vst v63  }
0x31: {  	s0 =	sadd.s32 s3, s1;
	s1 =	sand.u32 $0x1FFFFFF0, s25;
	s22 =	spop (v2sf)  }
0x32: {  	[tilespmem:s20], [sflag:$0x1] =	stream.linear.gather [hbm4b:s0+s12], $0x80, $0x38;
	[tilespmem:$0x18200] =	vst v63  }
0x33: {  	s0 =	sadd.s32 s3, s24;
	s20 =	sand.u32 $0x1FFFFFF0, s22;
	s22 =	spop (v2sf)  }
0x34: {  	[tilespmem:s23], [sflag:$0x1] =	stream.linear.gather [hbm4b:s0+s12], $0x80, $0x38;
	[tilespmem:$0x18200] =	vst v63  }
0x35: {  	s0 =	sadd.s32 s3, s1;
	s1 =	sand.u32 $0x1FFFFFF0, s22;
	s22 =	spop (v2sf)  }
0x36: {  	[tilespmem:s21], [sflag:$0x1] =	stream.linear.gather [hbm4b:s0+s12], $0x80, $0x38;
	[tilespmem:$0x18200] =	vst v63  }
0x37: {  	s0 =	sadd.s32 s3, s20;
	s20 =	sand.u32 $0x1FFFFFF0, s22;
	s21 =	spop (v2sf)  }
0x38: {  	[tilespmem:s19], [sflag:$0x1] =	stream.linear.gather [hbm4b:s0+s12], $0x80, $0x38;
	[tilespmem:$0x18200] =	vst v63  }
0x39: {  	s0 =	sadd.s32 s3, s1;
	s1 =	sand.u32 $0x1FFFFFF0, s21;
	s19 =	spop (v2sf)  }
0x3a: {  	[tilespmem:s17], [sflag:$0x1] =	stream.linear.gather [hbm4b:s0+s12], $0x80, $0x38;
	[tilespmem:$0x18200] =	vst v63  }
0x3b: {  	s0 =	sadd.s32 s3, s20;
	s17 =	sand.u32 $0x1FFFFFF0, s19  }
0x3c: {  	[tilespmem:s18], [sflag:$0x1] =	stream.linear.gather [hbm4b:s0+s12], $0x80, $0x38;
	[tilespmem:$0x18200] =	vst v63  }
0x3d: {  	s1 =	sadd.s32 s3, s1;
	s0 =	sadd.s32 $0x900, s13  }
0x3e: {  	[tilespmem:s0], [sflag:$0x1] =	stream.linear.gather [hbm4b:s1+s12], $0x80, $0x38;
	[tilespmem:$0x18200] =	vst v63  }
0x3f: {  	s0 =	sadd.s32 $0x980, s13;
	s1 =	sadd.s32 s3, s17  }
0x40: {  	[tilespmem:s0], [sflag:$0x1] =	stream.linear.gather [hbm4b:s1+s12], $0x80, $0x38;
	[tilespmem:$0x18200] =	vst v63  }
0x41: {  	v4 =	vld [tilespmem:s15+$0x0];
	_ =	sdelay $0x4  }
0x42: {  	v4 =	vshll.u32 v4, $0x4  }
0x43: {  	(v2sf) =	vpush v4, $0x0  }
0x44: {  	(v2sf) =	vpush v4, $0x1  }
0x45: {  	(v2sf) =	vpush v4, $0x2;
	_ =	sdelay $0x1  }
0x46: {  	(v2sf) =	vpush v4, $0x4  }
.Ltmp0:
0x47: {  	(pc) =	sbr.rel @p0 .LBB2_2-.Ltmp0, $3  }
0x48: {  	(v2sf) =	vpush v4, $0x3  }
0x49: {  	(v2sf) =	vpush v4, $0x5;
	_ =	sdelay $0x1  }
0x4a: {  	s13 =	sshra.s32 s16, $0x2;
	(v2sf) =	vpush v4, $0x6  }
0x4b: {  	_ =	sdelay $0x1  }
0x4c: {  	(v2sf) =	vpush v4, $0x7  }
0x4d: {  	s0 =	sadd.s32 $0x280, s13;
	s15 =	sadd.s32 $0x780, s13;
	s1 =	sadd.s32 $0x580, s13  }
0x4e: {  	s14 =	sadd.s32 $0x800, s13;
	s16 =	sadd.s32 $0x480, s13;
	s17 =	sadd.s32 $0x600, s13;
	(v2sf) =	vpush v4, $0x8  }
0x4f: {  	s18 =	sadd.s32 $0x200, s13;
	s19 =	sadd.s32 $0x400, s13;
	s21 =	spop (v2sf)  }
0x50: {  	s20 =	sadd.s32 $0x500, s13;
	s21 =	sand.u32 $0x1FFFFFF0, s21;
	s23 =	spop (v2sf)  }
0x51: {  	s21 =	sadd.s32 s3, s21;
	s23 =	sand.u32 $0x1FFFFFF0, s23;
	s24 =	spop (v2sf)  }
0x52: {  	(v2sf) =	vpush v4, $0x9;
	[tilespmem:s18], [sflag:$0x1] =	stream.linear.gather [hbm4b:s21+s12], $0x80, $0x38;
	[tilespmem:$0x18200] =	vst v63  }
0x53: {  	s22 =	sadd.s32 $0x300, s13;
	s28 =	sadd.s32 s3, s23;
	s29 =	spop (v2sf)  }
0x54: {  	(v2sf) =	vpush v4, $0xA;
	[tilespmem:s0], [sflag:$0x1] =	stream.linear.gather [hbm4b:s28+s12], $0x80, $0x38;
	[tilespmem:$0x18200] =	vst v63  }
0x55: {  	s25 =	sadd.s32 $0x380, s13;
	s30 =	sand.u32 $0x1FFFFFF0, s24;
	s31 =	spop (v2sf)  }
0x56: {  	s18 =	sadd.s32 $0x700, s13;
	(v2sf) =	vpush v4, $0xB;
	s21 =	sadd.s32 s3, s30;
	s24 =	sand.u32 $0x1FFFFFF0, s31  }
0x57: {  	[tilespmem:s22], [sflag:$0x1] =	stream.linear.gather [hbm4b:s21+s12], $0x80, $0x38;
	[tilespmem:$0x18200] =	vst v63  }
0x58: {  	s26 =	sand.u32 $0x1FFFFFF0, s29;
	(v2sf) =	vpush v4, $0xC;
	s28 =	spop (v2sf);
	s29 =	sadd.s32 s3, s24  }
0x59: {  	[tilespmem:s25], [sflag:$0x1] =	stream.linear.gather [hbm4b:s29+s12], $0x80, $0x38;
	[tilespmem:$0x18200] =	vst v63  }
0x5a: {  	s0 =	sadd.s32 $0x680, s13;
	(v2sf) =	vpush v4, $0xD;
	s22 =	sand.u32 $0x1FFFFFF0, s28;
	s30 =	spop (v2sf)  }
0x5b: {  	s21 =	sadd.s32 s3, s26;
	s22 =	sadd.s32 s3, s22;
	s23 =	spop (v2sf)  }
0x5c: {  	(v2sf) =	vpush v4, $0xE;
	[tilespmem:s19], [sflag:$0x1] =	stream.linear.gather [hbm4b:s21+s12], $0x80, $0x38;
	[tilespmem:$0x18200] =	vst v63  }
0x5d: {  	s31 =	sand.u32 $0x1FFFFFF0, s30;
	s24 =	sand.u32 $0x1FFFFFF0, s23;
	s25 =	spop (v2sf)  }
0x5e: {  	(v2sf) =	vpush v4, $0xF;
	[tilespmem:s16], [sflag:$0x1] =	stream.linear.gather [hbm4b:s22+s12], $0x80, $0x38;
	[tilespmem:$0x18200] =	vst v63  }
0x5f: {  	s19 =	sadd.s32 s3, s31;
	s26 =	sand.u32 $0x1FFFFFF0, s25;
	s16 =	sadd.s32 s3, s24  }
0x60: {  	[tilespmem:s20], [sflag:$0x1] =	stream.linear.gather [hbm4b:s19+s12], $0x80, $0x38;
	[tilespmem:$0x18200] =	vst v63  }
0x61: {  	s24 =	sadd.s32 $0x880, s13;
	s19 =	sadd.s32 s3, s26;
	s28 =	spop (v2sf)  }
0x62: {  	[tilespmem:s1], [sflag:$0x1] =	stream.linear.gather [hbm4b:s16+s12], $0x80, $0x38;
	[tilespmem:$0x18200] =	vst v63  }
0x63: {  	s29 =	sand.u32 $0x1FFFFFF0, s28;
	s30 =	spop (v2sf);
	s28 =	sadd.s32 $0x900, s13  }
0x64: {  	[tilespmem:s17], [sflag:$0x1] =	stream.linear.gather [hbm4b:s19+s12], $0x80, $0x38;
	[tilespmem:$0x18200] =	vst v63  }
0x65: {  	s16 =	sand.u32 $0x1FFFFFF0, s30;
	s1 =	sadd.s32 s3, s29;
	s31 =	spop (v2sf)  }
0x66: {  	[tilespmem:s0], [sflag:$0x1] =	stream.linear.gather [hbm4b:s1+s12], $0x80, $0x38;
	[tilespmem:$0x18200] =	vst v63  }
0x67: {  	s16 =	sadd.s32 s3, s16;
	s19 =	sand.u32 $0x1FFFFFF0, s31;
	s20 =	spop (v2sf)  }
0x68: {  	[tilespmem:s18], [sflag:$0x1] =	stream.linear.gather [hbm4b:s16+s12], $0x80, $0x38;
	[tilespmem:$0x18200] =	vst v63  }
0x69: {  	s0 =	sadd.s32 s3, s19;
	s1 =	sand.u32 $0x1FFFFFF0, s20;
	s21 =	spop (v2sf)  }
0x6a: {  	[tilespmem:s15], [sflag:$0x1] =	stream.linear.gather [hbm4b:s0+s12], $0x80, $0x38;
	[tilespmem:$0x18200] =	vst v63  }
0x6b: {  	s22 =	sand.u32 $0x1FFFFFF0, s21;
	s1 =	sadd.s32 s3, s1;
	s23 =	spop (v2sf)  }
0x6c: {  	[tilespmem:s14], [sflag:$0x1] =	stream.linear.gather [hbm4b:s1+s12], $0x80, $0x38;
	[tilespmem:$0x18200] =	vst v63  }
0x6d: {  	s25 =	sand.u32 $0x1FFFFFF0, s23;
	s0 =	sadd.s32 s3, s22;
	s26 =	spop (v2sf)  }
0x6e: {  	[tilespmem:s24], [sflag:$0x1] =	stream.linear.gather [hbm4b:s0+s12], $0x80, $0x38;
	[tilespmem:$0x18200] =	vst v63  }
0x6f: {  	s29 =	simm.s32 $0x0;
	s14 =	sadd.s32 s3, s25;
	s0 =	sand.u32 $0x1FFFFFF0, s26  }
0x70: {  	[tilespmem:s28], [sflag:$0x1] =	stream.linear.gather [hbm4b:s14+s12], $0x80, $0x38;
	[tilespmem:$0x18200] =	vst v63  }
0x71: {  	s30 =	sadd.s32 $0x980, s13;
	v4 =	vor.u32 s29, v0;
	s0 =	sadd.s32 s3, s0  }
0x72: {  	v5 =	vor.u32 s29, v1;
	[tilespmem:s30], [sflag:$0x1] =	stream.linear.gather [hbm4b:s0+s12], $0x80, $0x38;
	[tilespmem:$0x18200] =	vst v63  }
0x73: {  	_ =	swait.ge [sflag:s8], $0x80  }
0x74: {  	[sflag:s8] =	ssyncset.done $0x0  }
0x75: {  	[sflag:s8] =	ssyncadd.s32 $0xFFFFFF80  }
0x76: {  	v4 =	vld.idx.msk [tilespmem:v4+s9+$0x0], $0xffff  }
0x77: {  	v5 =	vld.idx.msk [tilespmem:v5+s9+$0x0], $0xffff;
	_ =	sdelay $0x1  }
0x78: {  	v6 =	vor.u32 s29, v2  }
0x79: {  	v7 =	vor.u32 s29, v3  }
0x7a: {  	s31 =	sand.u32 $0xFF00, s12  }
0x7b: {  	s0 =	sshrl.u32 s31, $0x1;
	v4 =	vpack.i.f32.bf16 v5, v4  }
0x7c: {  	[tilespmem:s0+$0x10200] =	vst v4  }
0x7d: {  	v4 =	vld.idx.msk [tilespmem:v6+s9+$0x0], $0xffff  }
0x7e: {  	v5 =	vld.idx.msk [tilespmem:v7+s9+$0x0], $0xffff;
	_ =	sdelay $0x1  }
0x7f: {  	s13 =	simm.s32 $0x1;
	s15 =	simm.s32 $0x2;
	s14 =	sadd.s32 $0x10200, s0  }
.LBB2_4:
0x80: {  	s0 =	sshll.u32 s13, $0x7  }
0x81: {  	s12 =	sadd.s32 $0x80, s12;
	s13 =	smov.u32 s15;
	s1 =	sadd.s32 $0x1, s15  }
0x82: {  	p0 =	sne.s32 s15, $0x1FF;
	v4 =	vpack.i.f32.bf16 v5, v4;
	v6 =	vor.u32 s0, v0;
	v7 =	vor.u32 s0, v1  }
0x83: {  	[tilespmem:s14+$0x20] =	vst v4  }
0x84: {  	_ =	swait.ge [sflag:s8], $0x80  }
0x85: {  	[sflag:s8] =	ssyncset.done $0x0  }
0x86: {  	[sflag:s8] =	ssyncadd.s32 $0xFFFFFF80  }
0x87: {  	v4 =	vld.idx.msk [tilespmem:v6+s9+$0x0], $0xffff  }
0x88: {  	v5 =	vld.idx.msk [tilespmem:v7+s9+$0x0], $0xffff;
	_ =	sdelay $0x2  }
0x89: {  	v6 =	vor.u32 s0, v2;
	v7 =	vor.u32 s0, v3  }
0x8a: {  	s0 =	sand.u32 $0xFF00, s12  }
0x8b: {  	s0 =	sshrl.u32 s0, $0x1  }
0x8c: {  	v4 =	vpack.i.f32.bf16 v5, v4  }
0x8d: {  	[tilespmem:s0+$0x10200] =	vst v4  }
0x8e: {  	v4 =	vld.idx.msk [tilespmem:v6+s9+$0x0], $0xffff  }
.Ltmp1:
0x8f: {  	v5 =	vld.idx.msk [tilespmem:v7+s9+$0x0], $0xffff;
	(pc) =	sbr.rel @p0 .LBB2_4-.Ltmp1, $2  }
0x90: {  	_ =	sdelay $0x2  }
0x91: {  	s15 =	smov.u32 s1;
	s14 =	sadd.s32 $0x10200, s0  }
0x92: {  	s0 =	sshll.u32 s13, $0x7  }
0x93: {  	v4 =	vpack.i.f32.bf16 v5, v4;
	v6 =	vor.u32 s0, v0  }
0x94: {  	v5 =	vor.u32 s0, v1;
	[tilespmem:s14+$0x20] =	vst v4  }
0x95: {  	_ =	swait.ge [sflag:s8], $0x80  }
0x96: {  	[sflag:s8] =	ssyncset.done $0x0  }
0x97: {  	[sflag:s8] =	ssyncadd.s32 $0xFFFFFF80  }
0x98: {  	v4 =	vld.idx.msk [tilespmem:v6+s9+$0x0], $0xffff  }
0x99: {  	v5 =	vld.idx.msk [tilespmem:v5+s9+$0x0], $0xffff;
	_ =	sdelay $0x1  }
0x9a: {  	v63 =	vor.u32 s0, v2  }
0x9b: {  	s1 =	sadd.s32 $0x80, s12;
	v7 =	vor.u32 s0, v3  }
0x9c: {  	s31 =	sand.u32 $0xFF00, s1  }
0x9d: {  	s0 =	sshrl.u32 s31, $0x1;
	v4 =	vpack.i.f32.bf16 v5, v4  }
0x9e: {  	[tilespmem:s0+$0x10200] =	vst v4  }
0x9f: {  	v4 =	vld.idx.msk [tilespmem:v63+s9+$0x0], $0xffff  }
0xa0: {  	v5 =	vld.idx.msk [tilespmem:v7+s9+$0x0], $0xffff;
	_ =	sdelay $0x3  }
0xa1: {  	s11 =	sadd.s32 $0x1, s11  }
0xa2: {  	p0 =	sne.s32 s11, s6;
	s0 =	sadd.s32 $0x10200, s0;
	v4 =	vpack.i.f32.bf16 v5, v4  }
.Ltmp2:
0xa3: {  	[tilespmem:s0+$0x20] =	vst v4;
	(pc) =	sbr.rel @p0 .LBB2_1-.Ltmp2, $4  }
0xa4: {  	[hbm4b:s5+s2] =	stream.linear.scatter [tilespmem:s10], [sflag:$0x2], $0x8000, $0x38;
	[tilespmem:$0x18200] =	vst v63  }
0xa5: {  	_ =	swait.ge [sflag:s7], $0x8000  }
0xa6: {  	[sflag:s7] =	ssyncset.done $0x0  }
0xa7: {  	[sflag:s7] =	ssyncadd.s32 $0xFFFF8000  }
0xa8: {  	_ =	sfence.sel $0x180000  }
0xa9: {  	[bflag:$0x0] =	sbarrier.arrive $0xFFFF  }
0xaa: {  	_ =	strace $0x90000047  }
0xab: {  	s0 =	stileid.u32;
	[bflag:$0x2] =	sbarrier.arrive $0xFFFF  }
0xac: {  	p0 =	sne.s32 s0, $0x0;
	s0 =	rddreg [dreg:$0x2]  }
0xad: {  	s0 =	sadd.s32 @!p0 $0x100000, s0  }
0xae: {  	[sflag:s0] =	ssyncadd.tile.s32 @!p0 $0x1;
	_ =	shalt  }
.Lfunc_end2:
_tile_overlayer_lowered:
.L_overlay_start_2:
0xaf: {  	(tag) =	ssettag $0x2  }
0xb0: {  	s0 =	rddreg [dreg:$0x0];
	s2 =	stileid.u32  }
0xb1: {  	s1 =	rddreg [dreg:$0x1];
	p0 =	sne.s32 s2, $0x0  }
0xb2: {  	s3 =	rddreg [dreg:$0x2];
	[bflag:$0x3] =	sbarrier.arrive $0xFFFF;
	s2 =	simm.s32 @!p0 $0x1C02  }
0xb3: {  	[timem:s3], [sflag:s2] =	dma.local @!p0 [hbm:s0], s1  }
0xb4: {  	s0 =	simm.s32 @!p0 $0x2  }
0xb5: {  	_ =	swait.ge @!p0 [sflag:s0], s1  }
0xb6: {  	s1 =	ssub.s32 @!p0 $0x0, s1;
	[sflag:s0] =	ssyncset.done @!p0 $0x0  }
0xb7: {  	[sflag:s0] =	ssyncadd.s32 @!p0 s1  }
0xb8: {  	[bflag:$0x3] =	sbarrier.arrive $0xFFFF  }
0xb9: {  	_ =	shalt  }

</sc_bundles>
